<compile_context>
chip_gen: v7x
topology: tpu7x:2x2x1
jax: 0.10.2.dev20260603
libtpu: 0.0.44.dev20260713+nightly
codegen_flags: <defaults>
</compile_context>

<pallas_src>
import functools

import jax
import jax.numpy as jnp
from jax import lax
from jax.experimental import pallas as pl
from jax.experimental.pallas import tpu as pltpu
from jax.experimental.pallas import tpu_sc as plsc

VOCAB = 100000
EMB = 64
HID = 128
N_THEME = 10
N_SENTI = 3
B = 1024
L = 200
BL = B * L

NC = 2
NSUB = 16
NW = NC * NSUB
DIMS_PER_W = EMB // NW
CH = 6400
N_CH = BL // CH
UNROLL = 8

LB = 8


def _sc_gather_t(tok_flat, table_t):
    mesh = plsc.VectorSubcoreMesh(core_axis_name="c", subcore_axis_name="s")

    @functools.partial(
        pl.kernel,
        out_type=jax.ShapeDtypeStruct((EMB, BL), jnp.float32),
        mesh=mesh,
        scratch_types=[
            pltpu.VMEM((VOCAB,), jnp.float32),
            pltpu.VMEM((CH,), jnp.int32),
            pltpu.VMEM((CH,), jnp.int32),
            pltpu.VMEM((CH,), jnp.float32),
            pltpu.VMEM((CH,), jnp.float32),
            pltpu.SemaphoreType.DMA,
            pltpu.SemaphoreType.DMA,
            pltpu.SemaphoreType.DMA,
            pltpu.SemaphoreType.DMA,
        ],
        compiler_params=pltpu.CompilerParams(needs_layout_passes=False),
    )
    def gather_kernel(tok_hbm, table_hbm, out_hbm, row_v,
                      idx_a, idx_b, out_a, out_b,
                      isem_a, isem_b, osem_a, osem_b):
        wid = lax.axis_index("s") * NC + lax.axis_index("c")
        idx_bufs = (idx_a, idx_b)
        out_bufs = (out_a, out_b)
        isems = (isem_a, isem_b)
        osems = (osem_a, osem_b)

        def gather_chunk(idx_v, out_v):
            @plsc.parallel_loop(0, CH, 16, unroll=UNROLL)
            def _g(base):
                sl = pl.ds(base, 16)
                out_v[sl] = plsc.load_gather(row_v, [idx_v[sl]])

        for dd in range(DIMS_PER_W):
            d = wid * DIMS_PER_W + dd
            pltpu.sync_copy(table_hbm.at[d], row_v)
            pltpu.async_copy(tok_hbm.at[pl.ds(0, CH)], idx_a, isem_a)
            pltpu.async_copy(tok_hbm.at[pl.ds(CH, CH)], idx_b, isem_b)

            def chunk_pair(ci, carry):
                for p in range(2):
                    c = ci * 2 + p
                    off = c * CH
                    idx_v, out_v = idx_bufs[p], out_bufs[p]
                    isem, osem = isems[p], osems[p]
                    pltpu.make_async_copy(
                        tok_hbm.at[pl.ds(off, CH)], idx_v, isem).wait()
                    @pl.when(jnp.logical_or(c >= 2, dd > 0))
                    def _drain():
                        pltpu.make_async_copy(
                            out_v, out_hbm.at[d, pl.ds(off, CH)], osem).wait()
                    gather_chunk(idx_v, out_v)
                    pltpu.async_copy(
                        out_v, out_hbm.at[d, pl.ds(off, CH)], osem)
                    @pl.when(c + 2 < N_CH)
                    def _prefetch():
                        noff = (c + 2) * CH
                        pltpu.async_copy(
                            tok_hbm.at[pl.ds(noff, CH)], idx_v, isem)
                return carry

            lax.fori_loop(0, N_CH // 2, chunk_pair, 0)

        d_last = wid * DIMS_PER_W + DIMS_PER_W - 1
        for p in range(2):
            off = (N_CH - 2 + p) * CH
            pltpu.make_async_copy(
                out_bufs[p], out_hbm.at[d_last, pl.ds(off, CH)],
                osems[p]).wait()

    return gather_kernel(tok_flat, table_t)


def _tc_body(len_ref, emb_ref, mt_ref, ms_ref, wt_ref, kt_ref, ws_ref,
             ks_ref, ut_ref, bt_ref, us_ref, bs_ref, out_t_ref, out_s_ref,
             acc_t, acc_s):
    i = pl.program_id(0)

    @pl.when(i == 0)
    def _init():
        acc_t[...] = jnp.zeros((HID, B), jnp.float32)
        acc_s[...] = jnp.zeros((HID, B), jnp.float32)

    lens = len_ref[...]
    zt_emb = jnp.dot(wt_ref[...], emb_ref[...],
                     preferred_element_type=jnp.float32)
    zs_emb = jnp.dot(ws_ref[...], emb_ref[...],
                     preferred_element_type=jnp.float32)
    at = acc_t[...]
    as_ = acc_s[...]
    for u in range(LB):
        mtx = mt_ref[:, u, 0, :]
        msx = ms_ref[:, u, 0, :]
        zt = zt_emb[:, u * B:(u + 1) * B] + jnp.dot(
            kt_ref[...], mtx, preferred_element_type=jnp.float32)
        zs = zs_emb[:, u * B:(u + 1) * B] + jnp.dot(
            ks_ref[...], msx, preferred_element_type=jnp.float32)
        w = jnp.where(lens > i * LB + u, 1.0, 0.0)
        at = at + jnp.tanh(zt) * w
        as_ = as_ + jnp.tanh(zs) * w
    acc_t[...] = at
    acc_s[...] = as_

    @pl.when(i == (L // LB) - 1)
    def _fin():
        denom = jnp.maximum(lens.astype(jnp.float32), 1.0)
        pt = at / denom
        ps = as_ / denom
        out_t_ref[...] = (jnp.dot(ut_ref[...], pt,
                                  preferred_element_type=jnp.float32)
                          + bt_ref[...])
        out_s_ref[...] = (jnp.dot(us_ref[...], ps,
                                  preferred_element_type=jnp.float32)
                          + bs_ref[...])


def _tc_forward(len2, emb_t, mt_t, ms_t, wt_t, kt_t, ws_t, ks_t,
                ut_t, bt2, us_t, bs2):
    full2 = lambda shape: pl.BlockSpec(shape, lambda i: (0, 0))
    return pl.pallas_call(
        _tc_body,
        grid=(L // LB,),
        in_specs=[
            full2((1, B)),
            pl.BlockSpec((EMB, LB * B), lambda i: (0, i)),
            pl.BlockSpec((N_THEME, LB, 1, B), lambda i: (0, i, 0, 0)),
            pl.BlockSpec((N_SENTI, LB, 1, B), lambda i: (0, i, 0, 0)),
            full2((HID, EMB)),
            full2((HID, N_THEME)),
            full2((HID, EMB)),
            full2((HID, N_SENTI)),
            full2((N_THEME, HID)),
            full2((N_THEME, 1)),
            full2((N_SENTI, HID)),
            full2((N_SENTI, 1)),
        ],
        out_specs=(
            pl.BlockSpec((N_THEME, B), lambda i: (0, 0)),
            pl.BlockSpec((N_SENTI, B), lambda i: (0, 0)),
        ),
        out_shape=(
            jax.ShapeDtypeStruct((N_THEME, B), jnp.float32),
            jax.ShapeDtypeStruct((N_SENTI, B), jnp.float32),
        ),
        scratch_shapes=[
            pltpu.VMEM((HID, B), jnp.float32),
            pltpu.VMEM((HID, B), jnp.float32),
        ],
    )(len2, emb_t, mt_t, ms_t, wt_t, kt_t, ws_t, ks_t, ut_t, bt2, us_t, bs2)


def kernel(token, token_len, mention_theme, mention_senti, emb_table,
           W_theme, K_theme, W_senti, K_senti,
           U_theme, b_theme, U_senti, b_senti):
    tok_flat = token.T.reshape(BL)
    table_t = emb_table.T
    emb_t = _sc_gather_t(tok_flat, table_t)

    len2 = token_len.reshape(1, B)
    mt_t = mention_theme.transpose(2, 1, 0).reshape(N_THEME, L, 1, B)
    ms_t = mention_senti.transpose(2, 1, 0).reshape(N_SENTI, L, 1, B)
    out_t, out_s = _tc_forward(
        len2, emb_t, mt_t, ms_t,
        W_theme.T, K_theme.T, W_senti.T, K_senti.T,
        U_theme.T, b_theme.reshape(N_THEME, 1),
        U_senti.T, b_senti.reshape(N_SENTI, 1))
    return (out_t.T, out_s.T)

# --- scband reference (transcript-rebuilt; emitter-appended) ---
"""Pipeline reference for scband-poka-18408229830763 (READ-ONLY COPY).

The authoritative reference and input builder live on the scoring server;
editing this copy changes nothing except your own understanding.
"""

import jax, jax.numpy as jnp
import numpy as np

VOCAB = 100000
EMB = 64
HID = 128
N_THEME = 10
N_SENTI = 3
B = 1024
L = 200


def setup_inputs(seed: int = 0) -> dict:
    key = jax.random.key(seed)
    ks = jax.random.split(key, 16)
    token = jax.random.randint(ks[0], (B, L), 0, VOCAB, dtype=jnp.int64 if jax.config.jax_enable_x64 else jnp.int32).astype(jnp.int32)
    token_len = jax.random.randint(ks[1], (B,), 0, L, dtype=jnp.int32)
    mention_theme = jax.random.uniform(ks[2], (B, L, N_THEME), dtype=jnp.float32)
    mention_senti = jax.random.uniform(ks[3], (B, L, N_SENTI), dtype=jnp.float32)
    emb_table = jax.random.normal(ks[4], (VOCAB, EMB), dtype=jnp.float32) * 0.02
    W_theme = jax.random.normal(ks[5], (EMB, HID), dtype=jnp.float32) * (1.0 / np.sqrt(EMB))
    K_theme = jax.random.normal(ks[6], (N_THEME, HID), dtype=jnp.float32) * (1.0 / np.sqrt(N_THEME))
    W_senti = jax.random.normal(ks[7], (EMB, HID), dtype=jnp.float32) * (1.0 / np.sqrt(EMB))
    K_senti = jax.random.normal(ks[8], (N_SENTI, HID), dtype=jnp.float32) * (1.0 / np.sqrt(N_SENTI))
    U_theme = jax.random.normal(ks[9], (HID, N_THEME), dtype=jnp.float32) * (1.0 / np.sqrt(HID))
    b_theme = jnp.zeros((N_THEME,), dtype=jnp.float32)
    U_senti = jax.random.normal(ks[10], (HID, N_SENTI), dtype=jnp.float32) * (1.0 / np.sqrt(HID))
    b_senti = jnp.zeros((N_SENTI,), dtype=jnp.float32)
    return {
        'token': token, 'token_len': token_len,
        'mention_theme': mention_theme, 'mention_senti': mention_senti,
        'emb_table': emb_table,
        'W_theme': W_theme, 'K_theme': K_theme,
        'W_senti': W_senti, 'K_senti': K_senti,
        'U_theme': U_theme, 'b_theme': b_theme,
        'U_senti': U_senti, 'b_senti': b_senti,
    }


def reference(token, token_len, mention_theme, mention_senti, emb_table,
              W_theme, K_theme, W_senti, K_senti,
              U_theme, b_theme, U_senti, b_senti):
    # token embedding lookup (EmbeddingLayer) -- SparseCore gather
    emb = jnp.take(emb_table, token, axis=0)                      # [B, L, EMB]
    # length mask from token_len (KGMT consumes seq_len)
    pos = jnp.arange(emb.shape[1])[None, :]                       # [1, L]
    mask = (pos < token_len[:, None]).astype(emb.dtype)           # [B, L]
    # KGMT: knowledge-guided token transforms mixing mention matrices
    theme_tok = jnp.tanh(emb @ W_theme + mention_theme @ K_theme) # [B, L, HID]
    senti_tok = jnp.tanh(emb @ W_senti + mention_senti @ K_senti) # [B, L, HID]
    theme_tok = theme_tok * mask[:, :, None]
    senti_tok = senti_tok * mask[:, :, None]
    # JL (joint layer): masked mean pool + linear heads
    denom = jnp.maximum(token_len.astype(emb.dtype), 1.0)[:, None]
    theme_pool = jnp.sum(theme_tok, axis=1) / denom               # [B, HID]
    senti_pool = jnp.sum(senti_tok, axis=1) / denom               # [B, HID]
    theme_logits = theme_pool @ U_theme + b_theme                 # [B, N_THEME]
    senti_logits = senti_pool @ U_senti + b_senti                 # [B, N_SENTI]
    return (theme_logits, senti_logits)

if __name__ == "__main__":
    import jax
    _d = setup_inputs()
    print(jax.jit(kernel)(*tuple(_d.values())))

</pallas_src>

<mosaic_0001>
#map = affine_map<(d0, d1) -> (0)>
#map1 = affine_map<(d0, d1) -> (0, 0)>
module attributes {stable_mosaic.version = 14 : i64} {
  func.func @gather_kernel(%arg0: i32, %arg1: i32, %arg2: memref<204800xi32, #tpu.memory_space<hbm>>, %arg3: memref<64x100000xf32, #tpu.memory_space<hbm>>, %arg4: memref<64x204800xf32, #tpu.memory_space<hbm>>, %arg5: memref<100000xf32, #tpu.memory_space<vmem>>, %arg6: memref<6400xi32, #tpu.memory_space<vmem>>, %arg7: memref<6400xi32, #tpu.memory_space<vmem>>, %arg8: memref<6400xf32, #tpu.memory_space<vmem>>, %arg9: memref<6400xf32, #tpu.memory_space<vmem>>, %arg10: memref<!tpu.dma_semaphore, #tpu.memory_space<semaphore_mem>>, %arg11: memref<!tpu.dma_semaphore, #tpu.memory_space<semaphore_mem>>, %arg12: memref<!tpu.dma_semaphore, #tpu.memory_space<semaphore_mem>>, %arg13: memref<!tpu.dma_semaphore, #tpu.memory_space<semaphore_mem>>) attributes {dimension_semantics = [#tpu.dimension_semantics<core_parallel>, #tpu.dimension_semantics<subcore_parallel>], iteration_bounds = array<i64: 2, 16>, scalar_prefetch = 0 : i64, scratch_operands = 9 : i64, tpu.core_type = #tpu.core_type<sc_vector_subcore>, window_params = [{transform_indices = #map}, {transform_indices = #map1}, {transform_indices = #map1}]} {
    %mul3A = arith.constant 2 : i32
    %mul3A_0 = arith.muli %arg1, %mul3A : i32
    %add3A = arith.addi %mul3A_0, %arg0 : i32
    %mul3A_1 = arith.constant 2 : i32
    %mul3A_2 = arith.muli %add3A, %mul3A_1 : i32
    %add3A_3 = arith.constant 0 : i32
    %add3A_4 = arith.addi %mul3A_2, %add3A_3 : i32
    "tpu.region"() ({
      %run_scoped3A = tpu.sem_alloc : memref<!tpu.dma_semaphore, #tpu.memory_space<semaphore_mem>>
      %dma_start3A_51 = arith.constant 0 : i32
      %dma_start3A_52 = tpu.memref_slice %arg3[%add3A_4, %dma_start3A_51] : memref<64x100000xf32, #tpu.memory_space<hbm>> -> memref<1x100000xf32, #tpu.memory_space<hbm>>
      %dma_start3A_53 = tpu.memref_squeeze %dma_start3A_52 : memref<1x100000xf32, #tpu.memory_space<hbm>> -> memref<100000xf32, #tpu.memory_space<hbm>>
      %dma_start3A_54 = arith.constant 0 : i32
      %dma_start3A_55 = tpu.memref_slice %arg3[%add3A_4, %dma_start3A_54] : memref<64x100000xf32, #tpu.memory_space<hbm>> -> memref<1x100000xf32, #tpu.memory_space<hbm>>
      %dma_start3A_56 = tpu.memref_squeeze %dma_start3A_55 : memref<1x100000xf32, #tpu.memory_space<hbm>> -> memref<100000xf32, #tpu.memory_space<hbm>>
      tpu.enqueue_dma source(%dma_start3A_56 : memref<100000xf32, #tpu.memory_space<hbm>>) target(%arg5 : memref<100000xf32, #tpu.memory_space<vmem>>) target_semaphore(%run_scoped3A : memref<!tpu.dma_semaphore, #tpu.memory_space<semaphore_mem>>)
      %dma_wait3A_57 = arith.constant 0 : i32
      %dma_wait3A_58 = tpu.memref_slice %arg3[%add3A_4, %dma_wait3A_57] : memref<64x100000xf32, #tpu.memory_space<hbm>> -> memref<1x100000xf32, #tpu.memory_space<hbm>>
      %dma_wait3A_59 = tpu.memref_squeeze %dma_wait3A_58 : memref<1x100000xf32, #tpu.memory_space<hbm>> -> memref<100000xf32, #tpu.memory_space<hbm>>
      %dma_wait3A_60 = arith.constant 0 : i32
      %dma_wait3A_61 = tpu.memref_slice %arg3[%add3A_4, %dma_wait3A_60] : memref<64x100000xf32, #tpu.memory_space<hbm>> -> memref<1x100000xf32, #tpu.memory_space<hbm>>
      %dma_wait3A_62 = tpu.memref_squeeze %dma_wait3A_61 : memref<1x100000xf32, #tpu.memory_space<hbm>> -> memref<100000xf32, #tpu.memory_space<hbm>>
      tpu.wait_dma2 semaphore(%run_scoped3A : memref<!tpu.dma_semaphore, #tpu.memory_space<semaphore_mem>>) src(%dma_wait3A_62 : memref<100000xf32, #tpu.memory_space<hbm>>) dst(%arg5 : memref<100000xf32, #tpu.memory_space<vmem>>)
      tpu.yield
    }) : () -> ()
    %dma_start3A = arith.constant 0 : i32
    %dma_start3A_5 = tpu.memref_slice %arg2[%dma_start3A] : memref<204800xi32, #tpu.memory_space<hbm>> -> memref<6400xi32, #tpu.memory_space<hbm>>
    %dma_start3A_6 = arith.constant 0 : i32
    %dma_start3A_7 = tpu.memref_slice %arg2[%dma_start3A_6] : memref<204800xi32, #tpu.memory_space<hbm>> -> memref<6400xi32, #tpu.memory_space<hbm>>
    tpu.enqueue_dma source(%dma_start3A_7 : memref<6400xi32, #tpu.memory_space<hbm>>) target(%arg6 : memref<6400xi32, #tpu.memory_space<vmem>>) target_semaphore(%arg10 : memref<!tpu.dma_semaphore, #tpu.memory_space<semaphore_mem>>)
    %dma_start3A_8 = arith.constant 6400 : i32
    %dma_start3A_9 = tpu.memref_slice %arg2[%dma_start3A_8] : memref<204800xi32, #tpu.memory_space<hbm>> -> memref<6400xi32, #tpu.memory_space<hbm>>
    %dma_start3A_10 = arith.constant 6400 : i32
    %dma_start3A_11 = tpu.memref_slice %arg2[%dma_start3A_10] : memref<204800xi32, #tpu.memory_space<hbm>> -> memref<6400xi32, #tpu.memory_space<hbm>>
    tpu.enqueue_dma source(%dma_start3A_11 : memref<6400xi32, #tpu.memory_space<hbm>>) target(%arg7 : memref<6400xi32, #tpu.memory_space<vmem>>) target_semaphore(%arg11 : memref<!tpu.dma_semaphore, #tpu.memory_space<semaphore_mem>>)
    %scan3A = arith.constant 0 : i32
    %scan3A_12 = arith.constant 0 : i32
    %scan3A_13 = arith.constant 16 : i32
    %scan3A_14 = arith.addi %scan3A_12, %scan3A_13 : i32
    %scan3A_15 = arith.constant 1 : i32
    scf.for %scan3A_51 = %scan3A_12 to %scan3A_14 step %scan3A_15  : i32 {
      %mul3A_52 = arith.constant 2 : i32
      %mul3A_53 = arith.muli %scan3A_51, %mul3A_52 : i32
      %add3A_54 = arith.constant 0 : i32
      %add3A_55 = arith.addi %mul3A_53, %add3A_54 : i32
      %mul3A_56 = arith.constant 6400 : i32
      %mul3A_57 = arith.muli %add3A_55, %mul3A_56 : i32
      %dma_wait3A_58 = tpu.memref_slice %arg2[%mul3A_57] : memref<204800xi32, #tpu.memory_space<hbm>> -> memref<6400xi32, #tpu.memory_space<hbm>>
      %dma_wait3A_59 = tpu.memref_slice %arg2[%mul3A_57] : memref<204800xi32, #tpu.memory_space<hbm>> -> memref<6400xi32, #tpu.memory_space<hbm>>
      tpu.wait_dma2 semaphore(%arg10 : memref<!tpu.dma_semaphore, #tpu.memory_space<semaphore_mem>>) src(%dma_wait3A_59 : memref<6400xi32, #tpu.memory_space<hbm>>) dst(%arg6 : memref<6400xi32, #tpu.memory_space<vmem>>)
      %ge3A = arith.constant 2 : i32
      %ge3A_60 = arith.cmpi sge, %add3A_55, %ge3A : i32
      %or3A = arith.constant false
      %or3A_61 = arith.ori %ge3A_60, %or3A : i1
      %convert_element_type3A = arith.extui %or3A_61 : i1 to i32
      %cond3A = arith.constant 0 : i32
      %cond3A_62 = arith.cmpi ne, %convert_element_type3A, %cond3A : i32
      scf.if %cond3A_62 {
        %dma_wait3A_104 = tpu.memref_slice %arg4[%add3A_4, %mul3A_57] : memref<64x204800xf32, #tpu.memory_space<hbm>> -> memref<1x6400xf32, #tpu.memory_space<hbm>>
        %dma_wait3A_105 = tpu.memref_squeeze %dma_wait3A_104 : memref<1x6400xf32, #tpu.memory_space<hbm>> -> memref<6400xf32, #tpu.memory_space<hbm>>
        %dma_wait3A_106 = tpu.memref_slice %arg4[%add3A_4, %mul3A_57] : memref<64x204800xf32, #tpu.memory_space<hbm>> -> memref<1x6400xf32, #tpu.memory_space<hbm>>
        %dma_wait3A_107 = tpu.memref_squeeze %dma_wait3A_106 : memref<1x6400xf32, #tpu.memory_space<hbm>> -> memref<6400xf32, #tpu.memory_space<hbm>>
        tpu.wait_dma2 semaphore(%arg12 : memref<!tpu.dma_semaphore, #tpu.memory_space<semaphore_mem>>) src(%arg8 : memref<6400xf32, #tpu.memory_space<vmem>>) dst(%dma_wait3A_107 : memref<6400xf32, #tpu.memory_space<hbm>>)
      } else {
      }
      %parallel_loop3A = arith.constant 0 : i32
      %parallel_loop3A_63 = arith.constant 6400 : i32
      %parallel_loop3A_64 = arith.constant 16 : i32
      scf.for %parallel_loop3A_104 = %parallel_loop3A to %parallel_loop3A_63 step %parallel_loop3A_64  : i32 {
        %parallel_loop3A_105 = arith.index_cast %parallel_loop3A_104 : i32 to index
        %parallel_loop3A_106 = tpu.vector_load %arg6[%parallel_loop3A_105] {strides = array<i32>} : memref<6400xi32, #tpu.memory_space<vmem>>, vector<16xi32>,
        %parallel_loop3A_107 = tpu.vector_load_idx %arg5[%parallel_loop3A_106] : memref<100000xf32, #tpu.memory_space<vmem>>[vector<16xi32>], vector<16xf32>,
        %parallel_loop3A_108 = arith.index_cast %parallel_loop3A_104 : i32 to index
        %parallel_loop3A_109 = tpu.vector_load %arg8[%parallel_loop3A_108] {strides = array<i32>} : memref<6400xf32, #tpu.memory_space<vmem>>, vector<16xf32>,
        tpu.vector_store %arg8[%parallel_loop3A_108], %parallel_loop3A_107 {strides = array<i32>} : memref<6400xf32, #tpu.memory_space<vmem>>, vector<16xf32>,
      } {sc.loop_unroll_factor = 8 : i64, sc.parallel_access}
      %dma_start3A_65 = tpu.memref_slice %arg4[%add3A_4, %mul3A_57] : memref<64x204800xf32, #tpu.memory_space<hbm>> -> memref<1x6400xf32, #tpu.memory_space<hbm>>
      %dma_start3A_66 = tpu.memref_squeeze %dma_start3A_65 : memref<1x6400xf32, #tpu.memory_space<hbm>> -> memref<6400xf32, #tpu.memory_space<hbm>>
      %dma_start3A_67 = tpu.memref_slice %arg4[%add3A_4, %mul3A_57] : memref<64x204800xf32, #tpu.memory_space<hbm>> -> memref<1x6400xf32, #tpu.memory_space<hbm>>
      %dma_start3A_68 = tpu.memref_squeeze %dma_start3A_67 : memref<1x6400xf32, #tpu.memory_space<hbm>> -> memref<6400xf32, #tpu.memory_space<hbm>>
      tpu.enqueue_dma source(%arg8 : memref<6400xf32, #tpu.memory_space<vmem>>) target(%dma_start3A_68 : memref<6400xf32, #tpu.memory_space<hbm>>) target_semaphore(%arg12 : memref<!tpu.dma_semaphore, #tpu.memory_space<semaphore_mem>>)
      %add3A_69 = arith.constant 2 : i32
      %add3A_70 = arith.addi %add3A_55, %add3A_69 : i32
      %lt3A = arith.constant 32 : i32
      %lt3A_71 = arith.cmpi slt, %add3A_70, %lt3A : i32
      %convert_element_type3A_72 = arith.extui %lt3A_71 : i1 to i32
      %cond3A_73 = arith.constant 0 : i32
      %cond3A_74 = arith.cmpi ne, %convert_element_type3A_72, %cond3A_73 : i32
      scf.if %cond3A_74 {
        %add3A_104 = arith.constant 2 : i32
        %add3A_105 = arith.addi %add3A_55, %add3A_104 : i32
        %mul3A_106 = arith.constant 6400 : i32
        %mul3A_107 = arith.muli %add3A_105, %mul3A_106 : i32
        %dma_start3A_108 = tpu.memref_slice %arg2[%mul3A_107] : memref<204800xi32, #tpu.memory_space<hbm>> -> memref<6400xi32, #tpu.memory_space<hbm>>
        %dma_start3A_109 = tpu.memref_slice %arg2[%mul3A_107] : memref<204800xi32, #tpu.memory_space<hbm>> -> memref<6400xi32, #tpu.memory_space<hbm>>
        tpu.enqueue_dma source(%dma_start3A_109 : memref<6400xi32, #tpu.memory_space<hbm>>) target(%arg6 : memref<6400xi32, #tpu.memory_space<vmem>>) target_semaphore(%arg10 : memref<!tpu.dma_semaphore, #tpu.memory_space<semaphore_mem>>)
      } else {
      }
      %mul3A_75 = arith.constant 2 : i32
      %mul3A_76 = arith.muli %scan3A_51, %mul3A_75 : i32
      %add3A_77 = arith.constant 1 : i32
      %add3A_78 = arith.addi %mul3A_76, %add3A_77 : i32
      %mul3A_79 = arith.constant 6400 : i32
      %mul3A_80 = arith.muli %add3A_78, %mul3A_79 : i32
      %dma_wait3A_81 = tpu.memref_slice %arg2[%mul3A_80] : memref<204800xi32, #tpu.memory_space<hbm>> -> memref<6400xi32, #tpu.memory_space<hbm>>
      %dma_wait3A_82 = tpu.memref_slice %arg2[%mul3A_80] : memref<204800xi32, #tpu.memory_space<hbm>> -> memref<6400xi32, #tpu.memory_space<hbm>>
      tpu.wait_dma2 semaphore(%arg11 : memref<!tpu.dma_semaphore, #tpu.memory_space<semaphore_mem>>) src(%dma_wait3A_82 : memref<6400xi32, #tpu.memory_space<hbm>>) dst(%arg7 : memref<6400xi32, #tpu.memory_space<vmem>>)
      %ge3A_83 = arith.constant 2 : i32
      %ge3A_84 = arith.cmpi sge, %add3A_78, %ge3A_83 : i32
      %or3A_85 = arith.constant false
      %or3A_86 = arith.ori %ge3A_84, %or3A_85 : i1
      %convert_element_type3A_87 = arith.extui %or3A_86 : i1 to i32
      %cond3A_88 = arith.constant 0 : i32
      %cond3A_89 = arith.cmpi ne, %convert_element_type3A_87, %cond3A_88 : i32
      scf.if %cond3A_89 {
        %dma_wait3A_104 = tpu.memref_slice %arg4[%add3A_4, %mul3A_80] : memref<64x204800xf32, #tpu.memory_space<hbm>> -> memref<1x6400xf32, #tpu.memory_space<hbm>>
        %dma_wait3A_105 = tpu.memref_squeeze %dma_wait3A_104 : memref<1x6400xf32, #tpu.memory_space<hbm>> -> memref<6400xf32, #tpu.memory_space<hbm>>
        %dma_wait3A_106 = tpu.memref_slice %arg4[%add3A_4, %mul3A_80] : memref<64x204800xf32, #tpu.memory_space<hbm>> -> memref<1x6400xf32, #tpu.memory_space<hbm>>
        %dma_wait3A_107 = tpu.memref_squeeze %dma_wait3A_106 : memref<1x6400xf32, #tpu.memory_space<hbm>> -> memref<6400xf32, #tpu.memory_space<hbm>>
        tpu.wait_dma2 semaphore(%arg13 : memref<!tpu.dma_semaphore, #tpu.memory_space<semaphore_mem>>) src(%arg9 : memref<6400xf32, #tpu.memory_space<vmem>>) dst(%dma_wait3A_107 : memref<6400xf32, #tpu.memory_space<hbm>>)
      } else {
      }
      %parallel_loop3A_90 = arith.constant 0 : i32
      %parallel_loop3A_91 = arith.constant 6400 : i32
      %parallel_loop3A_92 = arith.constant 16 : i32
      scf.for %parallel_loop3A_104 = %parallel_loop3A_90 to %parallel_loop3A_91 step %parallel_loop3A_92  : i32 {
        %parallel_loop3A_105 = arith.index_cast %parallel_loop3A_104 : i32 to index
        %parallel_loop3A_106 = tpu.vector_load %arg7[%parallel_loop3A_105] {strides = array<i32>} : memref<6400xi32, #tpu.memory_space<vmem>>, vector<16xi32>,
        %parallel_loop3A_107 = tpu.vector_load_idx %arg5[%parallel_loop3A_106] : memref<100000xf32, #tpu.memory_space<vmem>>[vector<16xi32>], vector<16xf32>,
        %parallel_loop3A_108 = arith.index_cast %parallel_loop3A_104 : i32 to index
        %parallel_loop3A_109 = tpu.vector_load %arg9[%parallel_loop3A_108] {strides = array<i32>} : memref<6400xf32, #tpu.memory_space<vmem>>, vector<16xf32>,
        tpu.vector_store %arg9[%parallel_loop3A_108], %parallel_loop3A_107 {strides = array<i32>} : memref<6400xf32, #tpu.memory_space<vmem>>, vector<16xf32>,
      } {sc.loop_unroll_factor = 8 : i64, sc.parallel_access}
      %dma_start3A_93 = tpu.memref_slice %arg4[%add3A_4, %mul3A_80] : memref<64x204800xf32, #tpu.memory_space<hbm>> -> memref<1x6400xf32, #tpu.memory_space<hbm>>
      %dma_start3A_94 = tpu.memref_squeeze %dma_start3A_93 : memref<1x6400xf32, #tpu.memory_space<hbm>> -> memref<6400xf32, #tpu.memory_space<hbm>>
      %dma_start3A_95 = tpu.memref_slice %arg4[%add3A_4, %mul3A_80] : memref<64x204800xf32, #tpu.memory_space<hbm>> -> memref<1x6400xf32, #tpu.memory_space<hbm>>
      %dma_start3A_96 = tpu.memref_squeeze %dma_start3A_95 : memref<1x6400xf32, #tpu.memory_space<hbm>> -> memref<6400xf32, #tpu.memory_space<hbm>>
      tpu.enqueue_dma source(%arg9 : memref<6400xf32, #tpu.memory_space<vmem>>) target(%dma_start3A_96 : memref<6400xf32, #tpu.memory_space<hbm>>) target_semaphore(%arg13 : memref<!tpu.dma_semaphore, #tpu.memory_space<semaphore_mem>>)
      %add3A_97 = arith.constant 2 : i32
      %add3A_98 = arith.addi %add3A_78, %add3A_97 : i32
      %lt3A_99 = arith.constant 32 : i32
      %lt3A_100 = arith.cmpi slt, %add3A_98, %lt3A_99 : i32
      %convert_element_type3A_101 = arith.extui %lt3A_100 : i1 to i32
      %cond3A_102 = arith.constant 0 : i32
      %cond3A_103 = arith.cmpi ne, %convert_element_type3A_101, %cond3A_102 : i32
      scf.if %cond3A_103 {
        %add3A_104 = arith.constant 2 : i32
        %add3A_105 = arith.addi %add3A_78, %add3A_104 : i32
        %mul3A_106 = arith.constant 6400 : i32
        %mul3A_107 = arith.muli %add3A_105, %mul3A_106 : i32
        %dma_start3A_108 = tpu.memref_slice %arg2[%mul3A_107] : memref<204800xi32, #tpu.memory_space<hbm>> -> memref<6400xi32, #tpu.memory_space<hbm>>
        %dma_start3A_109 = tpu.memref_slice %arg2[%mul3A_107] : memref<204800xi32, #tpu.memory_space<hbm>> -> memref<6400xi32, #tpu.memory_space<hbm>>
        tpu.enqueue_dma source(%dma_start3A_109 : memref<6400xi32, #tpu.memory_space<hbm>>) target(%arg7 : memref<6400xi32, #tpu.memory_space<vmem>>) target_semaphore(%arg11 : memref<!tpu.dma_semaphore, #tpu.memory_space<semaphore_mem>>)
      } else {
      }
    }
    %scan3A_16 = arith.constant 16 : i32
    %mul3A_17 = arith.constant 2 : i32
    %mul3A_18 = arith.muli %add3A, %mul3A_17 : i32
    %add3A_19 = arith.constant 1 : i32
    %add3A_20 = arith.addi %mul3A_18, %add3A_19 : i32
    "tpu.region"() ({
      %run_scoped3A = tpu.sem_alloc : memref<!tpu.dma_semaphore, #tpu.memory_space<semaphore_mem>>
      %dma_start3A_51 = arith.constant 0 : i32
      %dma_start3A_52 = tpu.memref_slice %arg3[%add3A_20, %dma_start3A_51] : memref<64x100000xf32, #tpu.memory_space<hbm>> -> memref<1x100000xf32, #tpu.memory_space<hbm>>
      %dma_start3A_53 = tpu.memref_squeeze %dma_start3A_52 : memref<1x100000xf32, #tpu.memory_space<hbm>> -> memref<100000xf32, #tpu.memory_space<hbm>>
      %dma_start3A_54 = arith.constant 0 : i32
      %dma_start3A_55 = tpu.memref_slice %arg3[%add3A_20, %dma_start3A_54] : memref<64x100000xf32, #tpu.memory_space<hbm>> -> memref<1x100000xf32, #tpu.memory_space<hbm>>
      %dma_start3A_56 = tpu.memref_squeeze %dma_start3A_55 : memref<1x100000xf32, #tpu.memory_space<hbm>> -> memref<100000xf32, #tpu.memory_space<hbm>>
      tpu.enqueue_dma source(%dma_start3A_56 : memref<100000xf32, #tpu.memory_space<hbm>>) target(%arg5 : memref<100000xf32, #tpu.memory_space<vmem>>) target_semaphore(%run_scoped3A : memref<!tpu.dma_semaphore, #tpu.memory_space<semaphore_mem>>)
      %dma_wait3A_57 = arith.constant 0 : i32
      %dma_wait3A_58 = tpu.memref_slice %arg3[%add3A_20, %dma_wait3A_57] : memref<64x100000xf32, #tpu.memory_space<hbm>> -> memref<1x100000xf32, #tpu.memory_space<hbm>>
      %dma_wait3A_59 = tpu.memref_squeeze %dma_wait3A_58 : memref<1x100000xf32, #tpu.memory_space<hbm>> -> memref<100000xf32, #tpu.memory_space<hbm>>
      %dma_wait3A_60 = arith.constant 0 : i32
      %dma_wait3A_61 = tpu.memref_slice %arg3[%add3A_20, %dma_wait3A_60] : memref<64x100000xf32, #tpu.memory_space<hbm>> -> memref<1x100000xf32, #tpu.memory_space<hbm>>
      %dma_wait3A_62 = tpu.memref_squeeze %dma_wait3A_61 : memref<1x100000xf32, #tpu.memory_space<hbm>> -> memref<100000xf32, #tpu.memory_space<hbm>>
      tpu.wait_dma2 semaphore(%run_scoped3A : memref<!tpu.dma_semaphore, #tpu.memory_space<semaphore_mem>>) src(%dma_wait3A_62 : memref<100000xf32, #tpu.memory_space<hbm>>) dst(%arg5 : memref<100000xf32, #tpu.memory_space<vmem>>)
      tpu.yield
    }) : () -> ()
    %dma_start3A_21 = arith.constant 0 : i32
    %dma_start3A_22 = tpu.memref_slice %arg2[%dma_start3A_21] : memref<204800xi32, #tpu.memory_space<hbm>> -> memref<6400xi32, #tpu.memory_space<hbm>>
    %dma_start3A_23 = arith.constant 0 : i32
    %dma_start3A_24 = tpu.memref_slice %arg2[%dma_start3A_23] : memref<204800xi32, #tpu.memory_space<hbm>> -> memref<6400xi32, #tpu.memory_space<hbm>>
    tpu.enqueue_dma source(%dma_start3A_24 : memref<6400xi32, #tpu.memory_space<hbm>>) target(%arg6 : memref<6400xi32, #tpu.memory_space<vmem>>) target_semaphore(%arg10 : memref<!tpu.dma_semaphore, #tpu.memory_space<semaphore_mem>>)
    %dma_start3A_25 = arith.constant 6400 : i32
    %dma_start3A_26 = tpu.memref_slice %arg2[%dma_start3A_25] : memref<204800xi32, #tpu.memory_space<hbm>> -> memref<6400xi32, #tpu.memory_space<hbm>>
    %dma_start3A_27 = arith.constant 6400 : i32
    %dma_start3A_28 = tpu.memref_slice %arg2[%dma_start3A_27] : memref<204800xi32, #tpu.memory_space<hbm>> -> memref<6400xi32, #tpu.memory_space<hbm>>
    tpu.enqueue_dma source(%dma_start3A_28 : memref<6400xi32, #tpu.memory_space<hbm>>) target(%arg7 : memref<6400xi32, #tpu.memory_space<vmem>>) target_semaphore(%arg11 : memref<!tpu.dma_semaphore, #tpu.memory_space<semaphore_mem>>)
    %scan3A_29 = arith.constant 0 : i32
    %scan3A_30 = arith.constant 0 : i32
    %scan3A_31 = arith.constant 16 : i32
    %scan3A_32 = arith.addi %scan3A_30, %scan3A_31 : i32
    %scan3A_33 = arith.constant 1 : i32
    scf.for %scan3A_51 = %scan3A_30 to %scan3A_32 step %scan3A_33  : i32 {
      %mul3A_52 = arith.constant 2 : i32
      %mul3A_53 = arith.muli %scan3A_51, %mul3A_52 : i32
      %add3A_54 = arith.constant 0 : i32
      %add3A_55 = arith.addi %mul3A_53, %add3A_54 : i32
      %mul3A_56 = arith.constant 6400 : i32
      %mul3A_57 = arith.muli %add3A_55, %mul3A_56 : i32
      %dma_wait3A_58 = tpu.memref_slice %arg2[%mul3A_57] : memref<204800xi32, #tpu.memory_space<hbm>> -> memref<6400xi32, #tpu.memory_space<hbm>>
      %dma_wait3A_59 = tpu.memref_slice %arg2[%mul3A_57] : memref<204800xi32, #tpu.memory_space<hbm>> -> memref<6400xi32, #tpu.memory_space<hbm>>
      tpu.wait_dma2 semaphore(%arg10 : memref<!tpu.dma_semaphore, #tpu.memory_space<semaphore_mem>>) src(%dma_wait3A_59 : memref<6400xi32, #tpu.memory_space<hbm>>) dst(%arg6 : memref<6400xi32, #tpu.memory_space<vmem>>)
      %ge3A = arith.constant 2 : i32
      %ge3A_60 = arith.cmpi sge, %add3A_55, %ge3A : i32
      %or3A = arith.constant true
      %or3A_61 = arith.ori %ge3A_60, %or3A : i1
      %convert_element_type3A = arith.extui %or3A_61 : i1 to i32
      %cond3A = arith.constant 0 : i32
      %cond3A_62 = arith.cmpi ne, %convert_element_type3A, %cond3A : i32
      scf.if %cond3A_62 {
        %dma_wait3A_104 = tpu.memref_slice %arg4[%add3A_20, %mul3A_57] : memref<64x204800xf32, #tpu.memory_space<hbm>> -> memref<1x6400xf32, #tpu.memory_space<hbm>>
        %dma_wait3A_105 = tpu.memref_squeeze %dma_wait3A_104 : memref<1x6400xf32, #tpu.memory_space<hbm>> -> memref<6400xf32, #tpu.memory_space<hbm>>
        %dma_wait3A_106 = tpu.memref_slice %arg4[%add3A_20, %mul3A_57] : memref<64x204800xf32, #tpu.memory_space<hbm>> -> memref<1x6400xf32, #tpu.memory_space<hbm>>
        %dma_wait3A_107 = tpu.memref_squeeze %dma_wait3A_106 : memref<1x6400xf32, #tpu.memory_space<hbm>> -> memref<6400xf32, #tpu.memory_space<hbm>>
        tpu.wait_dma2 semaphore(%arg12 : memref<!tpu.dma_semaphore, #tpu.memory_space<semaphore_mem>>) src(%arg8 : memref<6400xf32, #tpu.memory_space<vmem>>) dst(%dma_wait3A_107 : memref<6400xf32, #tpu.memory_space<hbm>>)
      } else {
      }
      %parallel_loop3A = arith.constant 0 : i32
      %parallel_loop3A_63 = arith.constant 6400 : i32
      %parallel_loop3A_64 = arith.constant 16 : i32
      scf.for %parallel_loop3A_104 = %parallel_loop3A to %parallel_loop3A_63 step %parallel_loop3A_64  : i32 {
        %parallel_loop3A_105 = arith.index_cast %parallel_loop3A_104 : i32 to index
        %parallel_loop3A_106 = tpu.vector_load %arg6[%parallel_loop3A_105] {strides = array<i32>} : memref<6400xi32, #tpu.memory_space<vmem>>, vector<16xi32>,
        %parallel_loop3A_107 = tpu.vector_load_idx %arg5[%parallel_loop3A_106] : memref<100000xf32, #tpu.memory_space<vmem>>[vector<16xi32>], vector<16xf32>,
        %parallel_loop3A_108 = arith.index_cast %parallel_loop3A_104 : i32 to index
        %parallel_loop3A_109 = tpu.vector_load %arg8[%parallel_loop3A_108] {strides = array<i32>} : memref<6400xf32, #tpu.memory_space<vmem>>, vector<16xf32>,
        tpu.vector_store %arg8[%parallel_loop3A_108], %parallel_loop3A_107 {strides = array<i32>} : memref<6400xf32, #tpu.memory_space<vmem>>, vector<16xf32>,
      } {sc.loop_unroll_factor = 8 : i64, sc.parallel_access}
      %dma_start3A_65 = tpu.memref_slice %arg4[%add3A_20, %mul3A_57] : memref<64x204800xf32, #tpu.memory_space<hbm>> -> memref<1x6400xf32, #tpu.memory_space<hbm>>
      %dma_start3A_66 = tpu.memref_squeeze %dma_start3A_65 : memref<1x6400xf32, #tpu.memory_space<hbm>> -> memref<6400xf32, #tpu.memory_space<hbm>>
      %dma_start3A_67 = tpu.memref_slice %arg4[%add3A_20, %mul3A_57] : memref<64x204800xf32, #tpu.memory_space<hbm>> -> memref<1x6400xf32, #tpu.memory_space<hbm>>
      %dma_start3A_68 = tpu.memref_squeeze %dma_start3A_67 : memref<1x6400xf32, #tpu.memory_space<hbm>> -> memref<6400xf32, #tpu.memory_space<hbm>>
      tpu.enqueue_dma source(%arg8 : memref<6400xf32, #tpu.memory_space<vmem>>) target(%dma_start3A_68 : memref<6400xf32, #tpu.memory_space<hbm>>) target_semaphore(%arg12 : memref<!tpu.dma_semaphore, #tpu.memory_space<semaphore_mem>>)
      %add3A_69 = arith.constant 2 : i32
      %add3A_70 = arith.addi %add3A_55, %add3A_69 : i32
      %lt3A = arith.constant 32 : i32
      %lt3A_71 = arith.cmpi slt, %add3A_70, %lt3A : i32
      %convert_element_type3A_72 = arith.extui %lt3A_71 : i1 to i32
      %cond3A_73 = arith.constant 0 : i32
      %cond3A_74 = arith.cmpi ne, %convert_element_type3A_72, %cond3A_73 : i32
      scf.if %cond3A_74 {
        %add3A_104 = arith.constant 2 : i32
        %add3A_105 = arith.addi %add3A_55, %add3A_104 : i32
        %mul3A_106 = arith.constant 6400 : i32
        %mul3A_107 = arith.muli %add3A_105, %mul3A_106 : i32
        %dma_start3A_108 = tpu.memref_slice %arg2[%mul3A_107] : memref<204800xi32, #tpu.memory_space<hbm>> -> memref<6400xi32, #tpu.memory_space<hbm>>
        %dma_start3A_109 = tpu.memref_slice %arg2[%mul3A_107] : memref<204800xi32, #tpu.memory_space<hbm>> -> memref<6400xi32, #tpu.memory_space<hbm>>
        tpu.enqueue_dma source(%dma_start3A_109 : memref<6400xi32, #tpu.memory_space<hbm>>) target(%arg6 : memref<6400xi32, #tpu.memory_space<vmem>>) target_semaphore(%arg10 : memref<!tpu.dma_semaphore, #tpu.memory_space<semaphore_mem>>)
      } else {
      }
      %mul3A_75 = arith.constant 2 : i32
      %mul3A_76 = arith.muli %scan3A_51, %mul3A_75 : i32
      %add3A_77 = arith.constant 1 : i32
      %add3A_78 = arith.addi %mul3A_76, %add3A_77 : i32
      %mul3A_79 = arith.constant 6400 : i32
      %mul3A_80 = arith.muli %add3A_78, %mul3A_79 : i32
      %dma_wait3A_81 = tpu.memref_slice %arg2[%mul3A_80] : memref<204800xi32, #tpu.memory_space<hbm>> -> memref<6400xi32, #tpu.memory_space<hbm>>
      %dma_wait3A_82 = tpu.memref_slice %arg2[%mul3A_80] : memref<204800xi32, #tpu.memory_space<hbm>> -> memref<6400xi32, #tpu.memory_space<hbm>>
      tpu.wait_dma2 semaphore(%arg11 : memref<!tpu.dma_semaphore, #tpu.memory_space<semaphore_mem>>) src(%dma_wait3A_82 : memref<6400xi32, #tpu.memory_space<hbm>>) dst(%arg7 : memref<6400xi32, #tpu.memory_space<vmem>>)
      %ge3A_83 = arith.constant 2 : i32
      %ge3A_84 = arith.cmpi sge, %add3A_78, %ge3A_83 : i32
      %or3A_85 = arith.constant true
      %or3A_86 = arith.ori %ge3A_84, %or3A_85 : i1
      %convert_element_type3A_87 = arith.extui %or3A_86 : i1 to i32
      %cond3A_88 = arith.constant 0 : i32
      %cond3A_89 = arith.cmpi ne, %convert_element_type3A_87, %cond3A_88 : i32
      scf.if %cond3A_89 {
        %dma_wait3A_104 = tpu.memref_slice %arg4[%add3A_20, %mul3A_80] : memref<64x204800xf32, #tpu.memory_space<hbm>> -> memref<1x6400xf32, #tpu.memory_space<hbm>>
        %dma_wait3A_105 = tpu.memref_squeeze %dma_wait3A_104 : memref<1x6400xf32, #tpu.memory_space<hbm>> -> memref<6400xf32, #tpu.memory_space<hbm>>
        %dma_wait3A_106 = tpu.memref_slice %arg4[%add3A_20, %mul3A_80] : memref<64x204800xf32, #tpu.memory_space<hbm>> -> memref<1x6400xf32, #tpu.memory_space<hbm>>
        %dma_wait3A_107 = tpu.memref_squeeze %dma_wait3A_106 : memref<1x6400xf32, #tpu.memory_space<hbm>> -> memref<6400xf32, #tpu.memory_space<hbm>>
        tpu.wait_dma2 semaphore(%arg13 : memref<!tpu.dma_semaphore, #tpu.memory_space<semaphore_mem>>) src(%arg9 : memref<6400xf32, #tpu.memory_space<vmem>>) dst(%dma_wait3A_107 : memref<6400xf32, #tpu.memory_space<hbm>>)
      } else {
      }
      %parallel_loop3A_90 = arith.constant 0 : i32
      %parallel_loop3A_91 = arith.constant 6400 : i32
      %parallel_loop3A_92 = arith.constant 16 : i32
      scf.for %parallel_loop3A_104 = %parallel_loop3A_90 to %parallel_loop3A_91 step %parallel_loop3A_92  : i32 {
        %parallel_loop3A_105 = arith.index_cast %parallel_loop3A_104 : i32 to index
        %parallel_loop3A_106 = tpu.vector_load %arg7[%parallel_loop3A_105] {strides = array<i32>} : memref<6400xi32, #tpu.memory_space<vmem>>, vector<16xi32>,
        %parallel_loop3A_107 = tpu.vector_load_idx %arg5[%parallel_loop3A_106] : memref<100000xf32, #tpu.memory_space<vmem>>[vector<16xi32>], vector<16xf32>,
        %parallel_loop3A_108 = arith.index_cast %parallel_loop3A_104 : i32 to index
        %parallel_loop3A_109 = tpu.vector_load %arg9[%parallel_loop3A_108] {strides = array<i32>} : memref<6400xf32, #tpu.memory_space<vmem>>, vector<16xf32>,
        tpu.vector_store %arg9[%parallel_loop3A_108], %parallel_loop3A_107 {strides = array<i32>} : memref<6400xf32, #tpu.memory_space<vmem>>, vector<16xf32>,
      } {sc.loop_unroll_factor = 8 : i64, sc.parallel_access}
      %dma_start3A_93 = tpu.memref_slice %arg4[%add3A_20, %mul3A_80] : memref<64x204800xf32, #tpu.memory_space<hbm>> -> memref<1x6400xf32, #tpu.memory_space<hbm>>
      %dma_start3A_94 = tpu.memref_squeeze %dma_start3A_93 : memref<1x6400xf32, #tpu.memory_space<hbm>> -> memref<6400xf32, #tpu.memory_space<hbm>>
      %dma_start3A_95 = tpu.memref_slice %arg4[%add3A_20, %mul3A_80] : memref<64x204800xf32, #tpu.memory_space<hbm>> -> memref<1x6400xf32, #tpu.memory_space<hbm>>
      %dma_start3A_96 = tpu.memref_squeeze %dma_start3A_95 : memref<1x6400xf32, #tpu.memory_space<hbm>> -> memref<6400xf32, #tpu.memory_space<hbm>>
      tpu.enqueue_dma source(%arg9 : memref<6400xf32, #tpu.memory_space<vmem>>) target(%dma_start3A_96 : memref<6400xf32, #tpu.memory_space<hbm>>) target_semaphore(%arg13 : memref<!tpu.dma_semaphore, #tpu.memory_space<semaphore_mem>>)
      %add3A_97 = arith.constant 2 : i32
      %add3A_98 = arith.addi %add3A_78, %add3A_97 : i32
      %lt3A_99 = arith.constant 32 : i32
      %lt3A_100 = arith.cmpi slt, %add3A_98, %lt3A_99 : i32
      %convert_element_type3A_101 = arith.extui %lt3A_100 : i1 to i32
      %cond3A_102 = arith.constant 0 : i32
      %cond3A_103 = arith.cmpi ne, %convert_element_type3A_101, %cond3A_102 : i32
      scf.if %cond3A_103 {
        %add3A_104 = arith.constant 2 : i32
        %add3A_105 = arith.addi %add3A_78, %add3A_104 : i32
        %mul3A_106 = arith.constant 6400 : i32
        %mul3A_107 = arith.muli %add3A_105, %mul3A_106 : i32
        %dma_start3A_108 = tpu.memref_slice %arg2[%mul3A_107] : memref<204800xi32, #tpu.memory_space<hbm>> -> memref<6400xi32, #tpu.memory_space<hbm>>
        %dma_start3A_109 = tpu.memref_slice %arg2[%mul3A_107] : memref<204800xi32, #tpu.memory_space<hbm>> -> memref<6400xi32, #tpu.memory_space<hbm>>
        tpu.enqueue_dma source(%dma_start3A_109 : memref<6400xi32, #tpu.memory_space<hbm>>) target(%arg7 : memref<6400xi32, #tpu.memory_space<vmem>>) target_semaphore(%arg11 : memref<!tpu.dma_semaphore, #tpu.memory_space<semaphore_mem>>)
      } else {
      }
    }
    %scan3A_34 = arith.constant 16 : i32
    %mul3A_35 = arith.constant 2 : i32
    %mul3A_36 = arith.muli %add3A, %mul3A_35 : i32
    %add3A_37 = arith.constant 2 : i32
    %add3A_38 = arith.addi %mul3A_36, %add3A_37 : i32
    %sub3A = arith.constant 1 : i32
    %sub3A_39 = arith.subi %add3A_38, %sub3A : i32
    %dma_wait3A = arith.constant 192000 : i32
    %dma_wait3A_40 = tpu.memref_slice %arg4[%sub3A_39, %dma_wait3A] : memref<64x204800xf32, #tpu.memory_space<hbm>> -> memref<1x6400xf32, #tpu.memory_space<hbm>>
    %dma_wait3A_41 = tpu.memref_squeeze %dma_wait3A_40 : memref<1x6400xf32, #tpu.memory_space<hbm>> -> memref<6400xf32, #tpu.memory_space<hbm>>
    %dma_wait3A_42 = arith.constant 192000 : i32
    %dma_wait3A_43 = tpu.memref_slice %arg4[%sub3A_39, %dma_wait3A_42] : memref<64x204800xf32, #tpu.memory_space<hbm>> -> memref<1x6400xf32, #tpu.memory_space<hbm>>
    %dma_wait3A_44 = tpu.memref_squeeze %dma_wait3A_43 : memref<1x6400xf32, #tpu.memory_space<hbm>> -> memref<6400xf32, #tpu.memory_space<hbm>>
    tpu.wait_dma2 semaphore(%arg12 : memref<!tpu.dma_semaphore, #tpu.memory_space<semaphore_mem>>) src(%arg8 : memref<6400xf32, #tpu.memory_space<vmem>>) dst(%dma_wait3A_44 : memref<6400xf32, #tpu.memory_space<hbm>>)
    %dma_wait3A_45 = arith.constant 198400 : i32
    %dma_wait3A_46 = tpu.memref_slice %arg4[%sub3A_39, %dma_wait3A_45] : memref<64x204800xf32, #tpu.memory_space<hbm>> -> memref<1x6400xf32, #tpu.memory_space<hbm>>
    %dma_wait3A_47 = tpu.memref_squeeze %dma_wait3A_46 : memref<1x6400xf32, #tpu.memory_space<hbm>> -> memref<6400xf32, #tpu.memory_space<hbm>>
    %dma_wait3A_48 = arith.constant 198400 : i32
    %dma_wait3A_49 = tpu.memref_slice %arg4[%sub3A_39, %dma_wait3A_48] : memref<64x204800xf32, #tpu.memory_space<hbm>> -> memref<1x6400xf32, #tpu.memory_space<hbm>>
    %dma_wait3A_50 = tpu.memref_squeeze %dma_wait3A_49 : memref<1x6400xf32, #tpu.memory_space<hbm>> -> memref<6400xf32, #tpu.memory_space<hbm>>
    tpu.wait_dma2 semaphore(%arg13 : memref<!tpu.dma_semaphore, #tpu.memory_space<semaphore_mem>>) src(%arg9 : memref<6400xf32, #tpu.memory_space<vmem>>) dst(%dma_wait3A_50 : memref<6400xf32, #tpu.memory_space<hbm>>)
    return
  }
}

module attributes {stable_mosaic.version = 14 : i64} {
  func.func @_tc_body(%arg0: i32, %arg1: memref<1x1024xi32, #tpu.memory_space<vmem>>, %arg2: memref<64x8192xf32, #tpu.memory_space<vmem>>, %arg3: memref<10x8x1x1024xf32, #tpu.memory_space<vmem>>, %arg4: memref<3x8x1x1024xf32, #tpu.memory_space<vmem>>, %arg5: memref<128x64xf32, #tpu.memory_space<vmem>>, %arg6: memref<128x10xf32, #tpu.memory_space<vmem>>, %arg7: memref<128x64xf32, #tpu.memory_space<vmem>>, %arg8: memref<128x3xf32, #tpu.memory_space<vmem>>, %arg9: memref<10x128xf32, #tpu.memory_space<vmem>>, %arg10: memref<10x1xf32, #tpu.memory_space<vmem>>, %arg11: memref<3x128xf32, #tpu.memory_space<vmem>>, %arg12: memref<3x1xf32, #tpu.memory_space<vmem>>, %arg13: memref<10x1024xf32, #tpu.memory_space<vmem>>, %arg14: memref<3x1024xf32, #tpu.memory_space<vmem>>, %arg15: memref<128x1024xf32, #tpu.memory_space<vmem>>, %arg16: memref<128x1024xf32, #tpu.memory_space<vmem>>) attributes {dimension_semantics = [#tpu.dimension_semantics<arbitrary>], iteration_bounds = array<i64: 25>, scalar_prefetch = 0 : i64, scratch_operands = 2 : i64, tpu.core_type = #tpu.core_type<tc>, window_params = [{pipeline_mode = #tpu.pipeline_mode<synchronous>, transform_indices = @transform_0, window_bounds = array<i64: 1, 1024>}, {transform_indices = @transform_1, window_bounds = array<i64: 64, 8192>}, {transform_indices = @transform_2, window_bounds = array<i64: 10, 8, 1, 1024>}, {transform_indices = @transform_3, window_bounds = array<i64: 3, 8, 1, 1024>}, {pipeline_mode = #tpu.pipeline_mode<synchronous>, transform_indices = @transform_4, window_bounds = array<i64: 128, 64>}, {pipeline_mode = #tpu.pipeline_mode<synchronous>, transform_indices = @transform_5, window_bounds = array<i64: 128, 10>}, {pipeline_mode = #tpu.pipeline_mode<synchronous>, transform_indices = @transform_6, window_bounds = array<i64: 128, 64>}, {pipeline_mode = #tpu.pipeline_mode<synchronous>, transform_indices = @transform_7, window_bounds = array<i64: 128, 3>}, {pipeline_mode = #tpu.pipeline_mode<synchronous>, transform_indices = @transform_8, window_bounds = array<i64: 10, 128>}, {pipeline_mode = #tpu.pipeline_mode<synchronous>, transform_indices = @transform_9, window_bounds = array<i64: 10, 1>}, {pipeline_mode = #tpu.pipeline_mode<synchronous>, transform_indices = @transform_10, window_bounds = array<i64: 3, 128>}, {pipeline_mode = #tpu.pipeline_mode<synchronous>, transform_indices = @transform_11, window_bounds = array<i64: 3, 1>}, {pipeline_mode = #tpu.pipeline_mode<synchronous>, transform_indices = @transform_12, window_bounds = array<i64: 10, 1024>}, {pipeline_mode = #tpu.pipeline_mode<synchronous>, transform_indices = @transform_13, window_bounds = array<i64: 3, 1024>}]} {
    %eq3A = arith.constant 0 : i32
    %eq3A_0 = arith.cmpi eq, %arg0, %eq3A : i32
    %convert_element_type3A = arith.extui %eq3A_0 : i1 to i32
    %cond3A = arith.constant 0 : i32
    %cond3A_1 = arith.cmpi ne, %convert_element_type3A, %cond3A : i32
    scf.if %cond3A_1 {
      %broadcast_in_dim3A_387 = arith.constant 0.000000e+00 : f32
      %broadcast_in_dim3A_388 = vector.broadcast %broadcast_in_dim3A_387 : f32 to vector<128x1024xf32>
      %swap3A_389 = arith.constant 0 : index
      %swap3A_390 = arith.constant 0 : index
      %swap3A_391 = vector.load %arg15[%swap3A_389, %swap3A_390] : memref<128x1024xf32, #tpu.memory_space<vmem>>, vector<128x1024xf32>
      tpu.vector_store %arg15[%swap3A_389, %swap3A_390], %broadcast_in_dim3A_388 {strides = array<i32>} : memref<128x1024xf32, #tpu.memory_space<vmem>>, vector<128x1024xf32>,
      %broadcast_in_dim3A_392 = arith.constant 0.000000e+00 : f32
      %broadcast_in_dim3A_393 = vector.broadcast %broadcast_in_dim3A_392 : f32 to vector<128x1024xf32>
      %swap3A_394 = arith.constant 0 : index
      %swap3A_395 = arith.constant 0 : index
      %swap3A_396 = vector.load %arg16[%swap3A_394, %swap3A_395] : memref<128x1024xf32, #tpu.memory_space<vmem>>, vector<128x1024xf32>
      tpu.vector_store %arg16[%swap3A_394, %swap3A_395], %broadcast_in_dim3A_393 {strides = array<i32>} : memref<128x1024xf32, #tpu.memory_space<vmem>>, vector<128x1024xf32>,
    } else {
    }
    %get3A = arith.constant 0 : index
    %get3A_2 = arith.constant 0 : index
    %get3A_3 = vector.load %arg1[%get3A, %get3A_2] : memref<1x1024xi32, #tpu.memory_space<vmem>>, vector<1x1024xi32>
    %get3A_4 = arith.constant 0 : index
    %get3A_5 = arith.constant 0 : index
    %get3A_6 = vector.load %arg5[%get3A_4, %get3A_5] : memref<128x64xf32, #tpu.memory_space<vmem>>, vector<128x64xf32>
    %get3A_7 = arith.constant 0 : index
    %get3A_8 = arith.constant 0 : index
    %get3A_9 = vector.load %arg2[%get3A_7, %get3A_8] : memref<64x8192xf32, #tpu.memory_space<vmem>>, vector<64x8192xf32>
    %dot_general3A = arith.constant dense<0.000000e+00> : vector<128x8192xf32>
    %dot_general3A_10 = tpu.matmul %get3A_6, %get3A_9, %dot_general3A {dimension_numbers = #tpu.dot_dimension_numbers<[1], [0], [0], [1], [0, 0, 1, 1], [], []>, transpose_lhs_hint = false} : vector<128x64xf32>, vector<64x8192xf32>, vector<128x8192xf32> -> vector<128x8192xf32>
    %get3A_11 = arith.constant 0 : index
    %get3A_12 = arith.constant 0 : index
    %get3A_13 = vector.load %arg7[%get3A_11, %get3A_12] : memref<128x64xf32, #tpu.memory_space<vmem>>, vector<128x64xf32>
    %get3A_14 = arith.constant 0 : index
    %get3A_15 = arith.constant 0 : index
    %get3A_16 = vector.load %arg2[%get3A_14, %get3A_15] : memref<64x8192xf32, #tpu.memory_space<vmem>>, vector<64x8192xf32>
    %dot_general3A_17 = arith.constant dense<0.000000e+00> : vector<128x8192xf32>
    %dot_general3A_18 = tpu.matmul %get3A_13, %get3A_16, %dot_general3A_17 {dimension_numbers = #tpu.dot_dimension_numbers<[1], [0], [0], [1], [0, 0, 1, 1], [], []>, transpose_lhs_hint = false} : vector<128x64xf32>, vector<64x8192xf32>, vector<128x8192xf32> -> vector<128x8192xf32>
    %get3A_19 = arith.constant 0 : index
    %get3A_20 = arith.constant 0 : index
    %get3A_21 = vector.load %arg15[%get3A_19, %get3A_20] : memref<128x1024xf32, #tpu.memory_space<vmem>>, vector<128x1024xf32>
    %get3A_22 = arith.constant 0 : index
    %get3A_23 = arith.constant 0 : index
    %get3A_24 = vector.load %arg16[%get3A_22, %get3A_23] : memref<128x1024xf32, #tpu.memory_space<vmem>>, vector<128x1024xf32>
    %get3A_25 = arith.constant 0 : index
    %get3A_26 = arith.constant 0 : index
    %get3A_27 = arith.constant 0 : index
    %get3A_28 = arith.constant 0 : index
    %get3A_29 = vector.load %arg3[%get3A_25, %get3A_26, %get3A_27, %get3A_28] : memref<10x8x1x1024xf32, #tpu.memory_space<vmem>>, vector<10x1x1x1024xf32>
    %get3A_30 = vector.shape_cast %get3A_29 : vector<10x1x1x1024xf32> to vector<10x1024xf32>
    %get3A_31 = arith.constant 0 : index
    %get3A_32 = arith.constant 0 : index
    %get3A_33 = arith.constant 0 : index
    %get3A_34 = arith.constant 0 : index
    %get3A_35 = vector.load %arg4[%get3A_31, %get3A_32, %get3A_33, %get3A_34] : memref<3x8x1x1024xf32, #tpu.memory_space<vmem>>, vector<3x1x1x1024xf32>
    %get3A_36 = vector.shape_cast %get3A_35 : vector<3x1x1x1024xf32> to vector<3x1024xf32>
    %slice3A = vector.extract_strided_slice %dot_general3A_10 {offsets = [0, 0], sizes = [128, 1024], strides = [1, 1]} : vector<128x8192xf32> to vector<128x1024xf32>
    %get3A_37 = arith.constant 0 : index
    %get3A_38 = arith.constant 0 : index
    %get3A_39 = vector.load %arg6[%get3A_37, %get3A_38] : memref<128x10xf32, #tpu.memory_space<vmem>>, vector<128x10xf32>
    %dot_general3A_40 = arith.constant dense<0.000000e+00> : vector<128x1024xf32>
    %dot_general3A_41 = tpu.matmul %get3A_39, %get3A_30, %dot_general3A_40 {dimension_numbers = #tpu.dot_dimension_numbers<[1], [0], [0], [1], [0, 0, 1, 1], [], []>, transpose_lhs_hint = false} : vector<128x10xf32>, vector<10x1024xf32>, vector<128x1024xf32> -> vector<128x1024xf32>
    %add3A = arith.addf %slice3A, %dot_general3A_41 : vector<128x1024xf32>
    %slice3A_42 = vector.extract_strided_slice %dot_general3A_18 {offsets = [0, 0], sizes = [128, 1024], strides = [1, 1]} : vector<128x8192xf32> to vector<128x1024xf32>
    %get3A_43 = arith.constant 0 : index
    %get3A_44 = arith.constant 0 : index
    %get3A_45 = vector.load %arg8[%get3A_43, %get3A_44] : memref<128x3xf32, #tpu.memory_space<vmem>>, vector<128x3xf32>
    %dot_general3A_46 = arith.constant dense<0.000000e+00> : vector<128x1024xf32>
    %dot_general3A_47 = tpu.matmul %get3A_45, %get3A_36, %dot_general3A_46 {dimension_numbers = #tpu.dot_dimension_numbers<[1], [0], [0], [1], [0, 0, 1, 1], [], []>, transpose_lhs_hint = false} : vector<128x3xf32>, vector<3x1024xf32>, vector<128x1024xf32> -> vector<128x1024xf32>
    %add3A_48 = arith.addf %slice3A_42, %dot_general3A_47 : vector<128x1024xf32>
    %mul3A = arith.constant 8 : i32
    %mul3A_49 = arith.muli %arg0, %mul3A : i32
    %add3A_50 = arith.constant 0 : i32
    %add3A_51 = arith.addi %mul3A_49, %add3A_50 : i32
    %gt3A = vector.broadcast %add3A_51 : i32 to vector<1x1024xi32>
    %gt3A_52 = arith.cmpi sgt, %get3A_3, %gt3A : vector<1x1024xi32>
    %jit3A = arith.constant 1.000000e+00 : f32
    %jit3A_53 = arith.constant 0.000000e+00 : f32
    %broadcast_in_dim3A = vector.broadcast %jit3A : f32 to vector<1x1024xf32>
    %broadcast_in_dim3A_54 = vector.broadcast %jit3A_53 : f32 to vector<1x1024xf32>
    %select_n3A = arith.select %gt3A_52, %broadcast_in_dim3A, %broadcast_in_dim3A_54 : vector<1x1024xi1>, vector<1x1024xf32>
    %tanh3A = math.tanh %add3A : vector<128x1024xf32>
    %mul3A_55 = vector.broadcast %select_n3A : vector<1x1024xf32> to vector<128x1024xf32>
    %mul3A_56 = arith.mulf %tanh3A, %mul3A_55 : vector<128x1024xf32>
    %add3A_57 = arith.addf %get3A_21, %mul3A_56 : vector<128x1024xf32>
    %tanh3A_58 = math.tanh %add3A_48 : vector<128x1024xf32>
    %mul3A_59 = vector.broadcast %select_n3A : vector<1x1024xf32> to vector<128x1024xf32>
    %mul3A_60 = arith.mulf %tanh3A_58, %mul3A_59 : vector<128x1024xf32>
    %add3A_61 = arith.addf %get3A_24, %mul3A_60 : vector<128x1024xf32>
    %get3A_62 = arith.constant 0 : index
    %get3A_63 = arith.constant 1 : index
    %get3A_64 = arith.constant 0 : index
    %get3A_65 = arith.constant 0 : index
    %get3A_66 = vector.load %arg3[%get3A_62, %get3A_63, %get3A_64, %get3A_65] : memref<10x8x1x1024xf32, #tpu.memory_space<vmem>>, vector<10x1x1x1024xf32>
    %get3A_67 = vector.shape_cast %get3A_66 : vector<10x1x1x1024xf32> to vector<10x1024xf32>
    %get3A_68 = arith.constant 0 : index
    %get3A_69 = arith.constant 1 : index
    %get3A_70 = arith.constant 0 : index
    %get3A_71 = arith.constant 0 : index
    %get3A_72 = vector.load %arg4[%get3A_68, %get3A_69, %get3A_70, %get3A_71] : memref<3x8x1x1024xf32, #tpu.memory_space<vmem>>, vector<3x1x1x1024xf32>
    %get3A_73 = vector.shape_cast %get3A_72 : vector<3x1x1x1024xf32> to vector<3x1024xf32>
    %slice3A_74 = vector.extract_strided_slice %dot_general3A_10 {offsets = [0, 1024], sizes = [128, 1024], strides = [1, 1]} : vector<128x8192xf32> to vector<128x1024xf32>
    %get3A_75 = arith.constant 0 : index
    %get3A_76 = arith.constant 0 : index
    %get3A_77 = vector.load %arg6[%get3A_75, %get3A_76] : memref<128x10xf32, #tpu.memory_space<vmem>>, vector<128x10xf32>
    %dot_general3A_78 = arith.constant dense<0.000000e+00> : vector<128x1024xf32>
    %dot_general3A_79 = tpu.matmul %get3A_77, %get3A_67, %dot_general3A_78 {dimension_numbers = #tpu.dot_dimension_numbers<[1], [0], [0], [1], [0, 0, 1, 1], [], []>, transpose_lhs_hint = false} : vector<128x10xf32>, vector<10x1024xf32>, vector<128x1024xf32> -> vector<128x1024xf32>
    %add3A_80 = arith.addf %slice3A_74, %dot_general3A_79 : vector<128x1024xf32>
    %slice3A_81 = vector.extract_strided_slice %dot_general3A_18 {offsets = [0, 1024], sizes = [128, 1024], strides = [1, 1]} : vector<128x8192xf32> to vector<128x1024xf32>
    %get3A_82 = arith.constant 0 : index
    %get3A_83 = arith.constant 0 : index
    %get3A_84 = vector.load %arg8[%get3A_82, %get3A_83] : memref<128x3xf32, #tpu.memory_space<vmem>>, vector<128x3xf32>
    %dot_general3A_85 = arith.constant dense<0.000000e+00> : vector<128x1024xf32>
    %dot_general3A_86 = tpu.matmul %get3A_84, %get3A_73, %dot_general3A_85 {dimension_numbers = #tpu.dot_dimension_numbers<[1], [0], [0], [1], [0, 0, 1, 1], [], []>, transpose_lhs_hint = false} : vector<128x3xf32>, vector<3x1024xf32>, vector<128x1024xf32> -> vector<128x1024xf32>
    %add3A_87 = arith.addf %slice3A_81, %dot_general3A_86 : vector<128x1024xf32>
    %mul3A_88 = arith.constant 8 : i32
    %mul3A_89 = arith.muli %arg0, %mul3A_88 : i32
    %add3A_90 = arith.constant 1 : i32
    %add3A_91 = arith.addi %mul3A_89, %add3A_90 : i32
    %gt3A_92 = vector.broadcast %add3A_91 : i32 to vector<1x1024xi32>
    %gt3A_93 = arith.cmpi sgt, %get3A_3, %gt3A_92 : vector<1x1024xi32>
    %jit3A_94 = arith.constant 1.000000e+00 : f32
    %jit3A_95 = arith.constant 0.000000e+00 : f32
    %broadcast_in_dim3A_96 = vector.broadcast %jit3A_94 : f32 to vector<1x1024xf32>
    %broadcast_in_dim3A_97 = vector.broadcast %jit3A_95 : f32 to vector<1x1024xf32>
    %select_n3A_98 = arith.select %gt3A_93, %broadcast_in_dim3A_96, %broadcast_in_dim3A_97 : vector<1x1024xi1>, vector<1x1024xf32>
    %tanh3A_99 = math.tanh %add3A_80 : vector<128x1024xf32>
    %mul3A_100 = vector.broadcast %select_n3A_98 : vector<1x1024xf32> to vector<128x1024xf32>
    %mul3A_101 = arith.mulf %tanh3A_99, %mul3A_100 : vector<128x1024xf32>
    %add3A_102 = arith.addf %add3A_57, %mul3A_101 : vector<128x1024xf32>
    %tanh3A_103 = math.tanh %add3A_87 : vector<128x1024xf32>
    %mul3A_104 = vector.broadcast %select_n3A_98 : vector<1x1024xf32> to vector<128x1024xf32>
    %mul3A_105 = arith.mulf %tanh3A_103, %mul3A_104 : vector<128x1024xf32>
    %add3A_106 = arith.addf %add3A_61, %mul3A_105 : vector<128x1024xf32>
    %get3A_107 = arith.constant 0 : index
    %get3A_108 = arith.constant 2 : index
    %get3A_109 = arith.constant 0 : index
    %get3A_110 = arith.constant 0 : index
    %get3A_111 = vector.load %arg3[%get3A_107, %get3A_108, %get3A_109, %get3A_110] : memref<10x8x1x1024xf32, #tpu.memory_space<vmem>>, vector<10x1x1x1024xf32>
    %get3A_112 = vector.shape_cast %get3A_111 : vector<10x1x1x1024xf32> to vector<10x1024xf32>
    %get3A_113 = arith.constant 0 : index
    %get3A_114 = arith.constant 2 : index
    %get3A_115 = arith.constant 0 : index
    %get3A_116 = arith.constant 0 : index
    %get3A_117 = vector.load %arg4[%get3A_113, %get3A_114, %get3A_115, %get3A_116] : memref<3x8x1x1024xf32, #tpu.memory_space<vmem>>, vector<3x1x1x1024xf32>
    %get3A_118 = vector.shape_cast %get3A_117 : vector<3x1x1x1024xf32> to vector<3x1024xf32>
    %slice3A_119 = vector.extract_strided_slice %dot_general3A_10 {offsets = [0, 2048], sizes = [128, 1024], strides = [1, 1]} : vector<128x8192xf32> to vector<128x1024xf32>
    %get3A_120 = arith.constant 0 : index
    %get3A_121 = arith.constant 0 : index
    %get3A_122 = vector.load %arg6[%get3A_120, %get3A_121] : memref<128x10xf32, #tpu.memory_space<vmem>>, vector<128x10xf32>
    %dot_general3A_123 = arith.constant dense<0.000000e+00> : vector<128x1024xf32>
    %dot_general3A_124 = tpu.matmul %get3A_122, %get3A_112, %dot_general3A_123 {dimension_numbers = #tpu.dot_dimension_numbers<[1], [0], [0], [1], [0, 0, 1, 1], [], []>, transpose_lhs_hint = false} : vector<128x10xf32>, vector<10x1024xf32>, vector<128x1024xf32> -> vector<128x1024xf32>
    %add3A_125 = arith.addf %slice3A_119, %dot_general3A_124 : vector<128x1024xf32>
    %slice3A_126 = vector.extract_strided_slice %dot_general3A_18 {offsets = [0, 2048], sizes = [128, 1024], strides = [1, 1]} : vector<128x8192xf32> to vector<128x1024xf32>
    %get3A_127 = arith.constant 0 : index
    %get3A_128 = arith.constant 0 : index
    %get3A_129 = vector.load %arg8[%get3A_127, %get3A_128] : memref<128x3xf32, #tpu.memory_space<vmem>>, vector<128x3xf32>
    %dot_general3A_130 = arith.constant dense<0.000000e+00> : vector<128x1024xf32>
    %dot_general3A_131 = tpu.matmul %get3A_129, %get3A_118, %dot_general3A_130 {dimension_numbers = #tpu.dot_dimension_numbers<[1], [0], [0], [1], [0, 0, 1, 1], [], []>, transpose_lhs_hint = false} : vector<128x3xf32>, vector<3x1024xf32>, vector<128x1024xf32> -> vector<128x1024xf32>
    %add3A_132 = arith.addf %slice3A_126, %dot_general3A_131 : vector<128x1024xf32>
    %mul3A_133 = arith.constant 8 : i32
    %mul3A_134 = arith.muli %arg0, %mul3A_133 : i32
    %add3A_135 = arith.constant 2 : i32
    %add3A_136 = arith.addi %mul3A_134, %add3A_135 : i32
    %gt3A_137 = vector.broadcast %add3A_136 : i32 to vector<1x1024xi32>
    %gt3A_138 = arith.cmpi sgt, %get3A_3, %gt3A_137 : vector<1x1024xi32>
    %jit3A_139 = arith.constant 1.000000e+00 : f32
    %jit3A_140 = arith.constant 0.000000e+00 : f32
    %broadcast_in_dim3A_141 = vector.broadcast %jit3A_139 : f32 to vector<1x1024xf32>
    %broadcast_in_dim3A_142 = vector.broadcast %jit3A_140 : f32 to vector<1x1024xf32>
    %select_n3A_143 = arith.select %gt3A_138, %broadcast_in_dim3A_141, %broadcast_in_dim3A_142 : vector<1x1024xi1>, vector<1x1024xf32>
    %tanh3A_144 = math.tanh %add3A_125 : vector<128x1024xf32>
    %mul3A_145 = vector.broadcast %select_n3A_143 : vector<1x1024xf32> to vector<128x1024xf32>
    %mul3A_146 = arith.mulf %tanh3A_144, %mul3A_145 : vector<128x1024xf32>
    %add3A_147 = arith.addf %add3A_102, %mul3A_146 : vector<128x1024xf32>
    %tanh3A_148 = math.tanh %add3A_132 : vector<128x1024xf32>
    %mul3A_149 = vector.broadcast %select_n3A_143 : vector<1x1024xf32> to vector<128x1024xf32>
    %mul3A_150 = arith.mulf %tanh3A_148, %mul3A_149 : vector<128x1024xf32>
    %add3A_151 = arith.addf %add3A_106, %mul3A_150 : vector<128x1024xf32>
    %get3A_152 = arith.constant 0 : index
    %get3A_153 = arith.constant 3 : index
    %get3A_154 = arith.constant 0 : index
    %get3A_155 = arith.constant 0 : index
    %get3A_156 = vector.load %arg3[%get3A_152, %get3A_153, %get3A_154, %get3A_155] : memref<10x8x1x1024xf32, #tpu.memory_space<vmem>>, vector<10x1x1x1024xf32>
    %get3A_157 = vector.shape_cast %get3A_156 : vector<10x1x1x1024xf32> to vector<10x1024xf32>
    %get3A_158 = arith.constant 0 : index
    %get3A_159 = arith.constant 3 : index
    %get3A_160 = arith.constant 0 : index
    %get3A_161 = arith.constant 0 : index
    %get3A_162 = vector.load %arg4[%get3A_158, %get3A_159, %get3A_160, %get3A_161] : memref<3x8x1x1024xf32, #tpu.memory_space<vmem>>, vector<3x1x1x1024xf32>
    %get3A_163 = vector.shape_cast %get3A_162 : vector<3x1x1x1024xf32> to vector<3x1024xf32>
    %slice3A_164 = vector.extract_strided_slice %dot_general3A_10 {offsets = [0, 3072], sizes = [128, 1024], strides = [1, 1]} : vector<128x8192xf32> to vector<128x1024xf32>
    %get3A_165 = arith.constant 0 : index
    %get3A_166 = arith.constant 0 : index
    %get3A_167 = vector.load %arg6[%get3A_165, %get3A_166] : memref<128x10xf32, #tpu.memory_space<vmem>>, vector<128x10xf32>
    %dot_general3A_168 = arith.constant dense<0.000000e+00> : vector<128x1024xf32>
    %dot_general3A_169 = tpu.matmul %get3A_167, %get3A_157, %dot_general3A_168 {dimension_numbers = #tpu.dot_dimension_numbers<[1], [0], [0], [1], [0, 0, 1, 1], [], []>, transpose_lhs_hint = false} : vector<128x10xf32>, vector<10x1024xf32>, vector<128x1024xf32> -> vector<128x1024xf32>
    %add3A_170 = arith.addf %slice3A_164, %dot_general3A_169 : vector<128x1024xf32>
    %slice3A_171 = vector.extract_strided_slice %dot_general3A_18 {offsets = [0, 3072], sizes = [128, 1024], strides = [1, 1]} : vector<128x8192xf32> to vector<128x1024xf32>
    %get3A_172 = arith.constant 0 : index
    %get3A_173 = arith.constant 0 : index
    %get3A_174 = vector.load %arg8[%get3A_172, %get3A_173] : memref<128x3xf32, #tpu.memory_space<vmem>>, vector<128x3xf32>
    %dot_general3A_175 = arith.constant dense<0.000000e+00> : vector<128x1024xf32>
    %dot_general3A_176 = tpu.matmul %get3A_174, %get3A_163, %dot_general3A_175 {dimension_numbers = #tpu.dot_dimension_numbers<[1], [0], [0], [1], [0, 0, 1, 1], [], []>, transpose_lhs_hint = false} : vector<128x3xf32>, vector<3x1024xf32>, vector<128x1024xf32> -> vector<128x1024xf32>
    %add3A_177 = arith.addf %slice3A_171, %dot_general3A_176 : vector<128x1024xf32>
    %mul3A_178 = arith.constant 8 : i32
    %mul3A_179 = arith.muli %arg0, %mul3A_178 : i32
    %add3A_180 = arith.constant 3 : i32
    %add3A_181 = arith.addi %mul3A_179, %add3A_180 : i32
    %gt3A_182 = vector.broadcast %add3A_181 : i32 to vector<1x1024xi32>
    %gt3A_183 = arith.cmpi sgt, %get3A_3, %gt3A_182 : vector<1x1024xi32>
    %jit3A_184 = arith.constant 1.000000e+00 : f32
    %jit3A_185 = arith.constant 0.000000e+00 : f32
    %broadcast_in_dim3A_186 = vector.broadcast %jit3A_184 : f32 to vector<1x1024xf32>
    %broadcast_in_dim3A_187 = vector.broadcast %jit3A_185 : f32 to vector<1x1024xf32>
    %select_n3A_188 = arith.select %gt3A_183, %broadcast_in_dim3A_186, %broadcast_in_dim3A_187 : vector<1x1024xi1>, vector<1x1024xf32>
    %tanh3A_189 = math.tanh %add3A_170 : vector<128x1024xf32>
    %mul3A_190 = vector.broadcast %select_n3A_188 : vector<1x1024xf32> to vector<128x1024xf32>
    %mul3A_191 = arith.mulf %tanh3A_189, %mul3A_190 : vector<128x1024xf32>
    %add3A_192 = arith.addf %add3A_147, %mul3A_191 : vector<128x1024xf32>
    %tanh3A_193 = math.tanh %add3A_177 : vector<128x1024xf32>
    %mul3A_194 = vector.broadcast %select_n3A_188 : vector<1x1024xf32> to vector<128x1024xf32>
    %mul3A_195 = arith.mulf %tanh3A_193, %mul3A_194 : vector<128x1024xf32>
    %add3A_196 = arith.addf %add3A_151, %mul3A_195 : vector<128x1024xf32>
    %get3A_197 = arith.constant 0 : index
    %get3A_198 = arith.constant 4 : index
    %get3A_199 = arith.constant 0 : index
    %get3A_200 = arith.constant 0 : index
    %get3A_201 = vector.load %arg3[%get3A_197, %get3A_198, %get3A_199, %get3A_200] : memref<10x8x1x1024xf32, #tpu.memory_space<vmem>>, vector<10x1x1x1024xf32>
    %get3A_202 = vector.shape_cast %get3A_201 : vector<10x1x1x1024xf32> to vector<10x1024xf32>
    %get3A_203 = arith.constant 0 : index
    %get3A_204 = arith.constant 4 : index
    %get3A_205 = arith.constant 0 : index
    %get3A_206 = arith.constant 0 : index
    %get3A_207 = vector.load %arg4[%get3A_203, %get3A_204, %get3A_205, %get3A_206] : memref<3x8x1x1024xf32, #tpu.memory_space<vmem>>, vector<3x1x1x1024xf32>
    %get3A_208 = vector.shape_cast %get3A_207 : vector<3x1x1x1024xf32> to vector<3x1024xf32>
    %slice3A_209 = vector.extract_strided_slice %dot_general3A_10 {offsets = [0, 4096], sizes = [128, 1024], strides = [1, 1]} : vector<128x8192xf32> to vector<128x1024xf32>
    %get3A_210 = arith.constant 0 : index
    %get3A_211 = arith.constant 0 : index
    %get3A_212 = vector.load %arg6[%get3A_210, %get3A_211] : memref<128x10xf32, #tpu.memory_space<vmem>>, vector<128x10xf32>
    %dot_general3A_213 = arith.constant dense<0.000000e+00> : vector<128x1024xf32>
    %dot_general3A_214 = tpu.matmul %get3A_212, %get3A_202, %dot_general3A_213 {dimension_numbers = #tpu.dot_dimension_numbers<[1], [0], [0], [1], [0, 0, 1, 1], [], []>, transpose_lhs_hint = false} : vector<128x10xf32>, vector<10x1024xf32>, vector<128x1024xf32> -> vector<128x1024xf32>
    %add3A_215 = arith.addf %slice3A_209, %dot_general3A_214 : vector<128x1024xf32>
    %slice3A_216 = vector.extract_strided_slice %dot_general3A_18 {offsets = [0, 4096], sizes = [128, 1024], strides = [1, 1]} : vector<128x8192xf32> to vector<128x1024xf32>
    %get3A_217 = arith.constant 0 : index
    %get3A_218 = arith.constant 0 : index
    %get3A_219 = vector.load %arg8[%get3A_217, %get3A_218] : memref<128x3xf32, #tpu.memory_space<vmem>>, vector<128x3xf32>
    %dot_general3A_220 = arith.constant dense<0.000000e+00> : vector<128x1024xf32>
    %dot_general3A_221 = tpu.matmul %get3A_219, %get3A_208, %dot_general3A_220 {dimension_numbers = #tpu.dot_dimension_numbers<[1], [0], [0], [1], [0, 0, 1, 1], [], []>, transpose_lhs_hint = false} : vector<128x3xf32>, vector<3x1024xf32>, vector<128x1024xf32> -> vector<128x1024xf32>
    %add3A_222 = arith.addf %slice3A_216, %dot_general3A_221 : vector<128x1024xf32>
    %mul3A_223 = arith.constant 8 : i32
    %mul3A_224 = arith.muli %arg0, %mul3A_223 : i32
    %add3A_225 = arith.constant 4 : i32
    %add3A_226 = arith.addi %mul3A_224, %add3A_225 : i32
    %gt3A_227 = vector.broadcast %add3A_226 : i32 to vector<1x1024xi32>
    %gt3A_228 = arith.cmpi sgt, %get3A_3, %gt3A_227 : vector<1x1024xi32>
    %jit3A_229 = arith.constant 1.000000e+00 : f32
    %jit3A_230 = arith.constant 0.000000e+00 : f32
    %broadcast_in_dim3A_231 = vector.broadcast %jit3A_229 : f32 to vector<1x1024xf32>
    %broadcast_in_dim3A_232 = vector.broadcast %jit3A_230 : f32 to vector<1x1024xf32>
    %select_n3A_233 = arith.select %gt3A_228, %broadcast_in_dim3A_231, %broadcast_in_dim3A_232 : vector<1x1024xi1>, vector<1x1024xf32>
    %tanh3A_234 = math.tanh %add3A_215 : vector<128x1024xf32>
    %mul3A_235 = vector.broadcast %select_n3A_233 : vector<1x1024xf32> to vector<128x1024xf32>
    %mul3A_236 = arith.mulf %tanh3A_234, %mul3A_235 : vector<128x1024xf32>
    %add3A_237 = arith.addf %add3A_192, %mul3A_236 : vector<128x1024xf32>
    %tanh3A_238 = math.tanh %add3A_222 : vector<128x1024xf32>
    %mul3A_239 = vector.broadcast %select_n3A_233 : vector<1x1024xf32> to vector<128x1024xf32>
    %mul3A_240 = arith.mulf %tanh3A_238, %mul3A_239 : vector<128x1024xf32>
    %add3A_241 = arith.addf %add3A_196, %mul3A_240 : vector<128x1024xf32>
    %get3A_242 = arith.constant 0 : index
    %get3A_243 = arith.constant 5 : index
    %get3A_244 = arith.constant 0 : index
    %get3A_245 = arith.constant 0 : index
    %get3A_246 = vector.load %arg3[%get3A_242, %get3A_243, %get3A_244, %get3A_245] : memref<10x8x1x1024xf32, #tpu.memory_space<vmem>>, vector<10x1x1x1024xf32>
    %get3A_247 = vector.shape_cast %get3A_246 : vector<10x1x1x1024xf32> to vector<10x1024xf32>
    %get3A_248 = arith.constant 0 : index
    %get3A_249 = arith.constant 5 : index
    %get3A_250 = arith.constant 0 : index
    %get3A_251 = arith.constant 0 : index
    %get3A_252 = vector.load %arg4[%get3A_248, %get3A_249, %get3A_250, %get3A_251] : memref<3x8x1x1024xf32, #tpu.memory_space<vmem>>, vector<3x1x1x1024xf32>
    %get3A_253 = vector.shape_cast %get3A_252 : vector<3x1x1x1024xf32> to vector<3x1024xf32>
    %slice3A_254 = vector.extract_strided_slice %dot_general3A_10 {offsets = [0, 5120], sizes = [128, 1024], strides = [1, 1]} : vector<128x8192xf32> to vector<128x1024xf32>
    %get3A_255 = arith.constant 0 : index
    %get3A_256 = arith.constant 0 : index
    %get3A_257 = vector.load %arg6[%get3A_255, %get3A_256] : memref<128x10xf32, #tpu.memory_space<vmem>>, vector<128x10xf32>
    %dot_general3A_258 = arith.constant dense<0.000000e+00> : vector<128x1024xf32>
    %dot_general3A_259 = tpu.matmul %get3A_257, %get3A_247, %dot_general3A_258 {dimension_numbers = #tpu.dot_dimension_numbers<[1], [0], [0], [1], [0, 0, 1, 1], [], []>, transpose_lhs_hint = false} : vector<128x10xf32>, vector<10x1024xf32>, vector<128x1024xf32> -> vector<128x1024xf32>
    %add3A_260 = arith.addf %slice3A_254, %dot_general3A_259 : vector<128x1024xf32>
    %slice3A_261 = vector.extract_strided_slice %dot_general3A_18 {offsets = [0, 5120], sizes = [128, 1024], strides = [1, 1]} : vector<128x8192xf32> to vector<128x1024xf32>
    %get3A_262 = arith.constant 0 : index
    %get3A_263 = arith.constant 0 : index
    %get3A_264 = vector.load %arg8[%get3A_262, %get3A_263] : memref<128x3xf32, #tpu.memory_space<vmem>>, vector<128x3xf32>
    %dot_general3A_265 = arith.constant dense<0.000000e+00> : vector<128x1024xf32>
    %dot_general3A_266 = tpu.matmul %get3A_264, %get3A_253, %dot_general3A_265 {dimension_numbers = #tpu.dot_dimension_numbers<[1], [0], [0], [1], [0, 0, 1, 1], [], []>, transpose_lhs_hint = false} : vector<128x3xf32>, vector<3x1024xf32>, vector<128x1024xf32> -> vector<128x1024xf32>
    %add3A_267 = arith.addf %slice3A_261, %dot_general3A_266 : vector<128x1024xf32>
    %mul3A_268 = arith.constant 8 : i32
    %mul3A_269 = arith.muli %arg0, %mul3A_268 : i32
    %add3A_270 = arith.constant 5 : i32
    %add3A_271 = arith.addi %mul3A_269, %add3A_270 : i32
    %gt3A_272 = vector.broadcast %add3A_271 : i32 to vector<1x1024xi32>
    %gt3A_273 = arith.cmpi sgt, %get3A_3, %gt3A_272 : vector<1x1024xi32>
    %jit3A_274 = arith.constant 1.000000e+00 : f32
    %jit3A_275 = arith.constant 0.000000e+00 : f32
    %broadcast_in_dim3A_276 = vector.broadcast %jit3A_274 : f32 to vector<1x1024xf32>
    %broadcast_in_dim3A_277 = vector.broadcast %jit3A_275 : f32 to vector<1x1024xf32>
    %select_n3A_278 = arith.select %gt3A_273, %broadcast_in_dim3A_276, %broadcast_in_dim3A_277 : vector<1x1024xi1>, vector<1x1024xf32>
    %tanh3A_279 = math.tanh %add3A_260 : vector<128x1024xf32>
    %mul3A_280 = vector.broadcast %select_n3A_278 : vector<1x1024xf32> to vector<128x1024xf32>
    %mul3A_281 = arith.mulf %tanh3A_279, %mul3A_280 : vector<128x1024xf32>
    %add3A_282 = arith.addf %add3A_237, %mul3A_281 : vector<128x1024xf32>
    %tanh3A_283 = math.tanh %add3A_267 : vector<128x1024xf32>
    %mul3A_284 = vector.broadcast %select_n3A_278 : vector<1x1024xf32> to vector<128x1024xf32>
    %mul3A_285 = arith.mulf %tanh3A_283, %mul3A_284 : vector<128x1024xf32>
    %add3A_286 = arith.addf %add3A_241, %mul3A_285 : vector<128x1024xf32>
    %get3A_287 = arith.constant 0 : index
    %get3A_288 = arith.constant 6 : index
    %get3A_289 = arith.constant 0 : index
    %get3A_290 = arith.constant 0 : index
    %get3A_291 = vector.load %arg3[%get3A_287, %get3A_288, %get3A_289, %get3A_290] : memref<10x8x1x1024xf32, #tpu.memory_space<vmem>>, vector<10x1x1x1024xf32>
    %get3A_292 = vector.shape_cast %get3A_291 : vector<10x1x1x1024xf32> to vector<10x1024xf32>
    %get3A_293 = arith.constant 0 : index
    %get3A_294 = arith.constant 6 : index
    %get3A_295 = arith.constant 0 : index
    %get3A_296 = arith.constant 0 : index
    %get3A_297 = vector.load %arg4[%get3A_293, %get3A_294, %get3A_295, %get3A_296] : memref<3x8x1x1024xf32, #tpu.memory_space<vmem>>, vector<3x1x1x1024xf32>
    %get3A_298 = vector.shape_cast %get3A_297 : vector<3x1x1x1024xf32> to vector<3x1024xf32>
    %slice3A_299 = vector.extract_strided_slice %dot_general3A_10 {offsets = [0, 6144], sizes = [128, 1024], strides = [1, 1]} : vector<128x8192xf32> to vector<128x1024xf32>
    %get3A_300 = arith.constant 0 : index
    %get3A_301 = arith.constant 0 : index
    %get3A_302 = vector.load %arg6[%get3A_300, %get3A_301] : memref<128x10xf32, #tpu.memory_space<vmem>>, vector<128x10xf32>
    %dot_general3A_303 = arith.constant dense<0.000000e+00> : vector<128x1024xf32>
    %dot_general3A_304 = tpu.matmul %get3A_302, %get3A_292, %dot_general3A_303 {dimension_numbers = #tpu.dot_dimension_numbers<[1], [0], [0], [1], [0, 0, 1, 1], [], []>, transpose_lhs_hint = false} : vector<128x10xf32>, vector<10x1024xf32>, vector<128x1024xf32> -> vector<128x1024xf32>
    %add3A_305 = arith.addf %slice3A_299, %dot_general3A_304 : vector<128x1024xf32>
    %slice3A_306 = vector.extract_strided_slice %dot_general3A_18 {offsets = [0, 6144], sizes = [128, 1024], strides = [1, 1]} : vector<128x8192xf32> to vector<128x1024xf32>
    %get3A_307 = arith.constant 0 : index
    %get3A_308 = arith.constant 0 : index
    %get3A_309 = vector.load %arg8[%get3A_307, %get3A_308] : memref<128x3xf32, #tpu.memory_space<vmem>>, vector<128x3xf32>
    %dot_general3A_310 = arith.constant dense<0.000000e+00> : vector<128x1024xf32>
    %dot_general3A_311 = tpu.matmul %get3A_309, %get3A_298, %dot_general3A_310 {dimension_numbers = #tpu.dot_dimension_numbers<[1], [0], [0], [1], [0, 0, 1, 1], [], []>, transpose_lhs_hint = false} : vector<128x3xf32>, vector<3x1024xf32>, vector<128x1024xf32> -> vector<128x1024xf32>
    %add3A_312 = arith.addf %slice3A_306, %dot_general3A_311 : vector<128x1024xf32>
    %mul3A_313 = arith.constant 8 : i32
    %mul3A_314 = arith.muli %arg0, %mul3A_313 : i32
    %add3A_315 = arith.constant 6 : i32
    %add3A_316 = arith.addi %mul3A_314, %add3A_315 : i32
    %gt3A_317 = vector.broadcast %add3A_316 : i32 to vector<1x1024xi32>
    %gt3A_318 = arith.cmpi sgt, %get3A_3, %gt3A_317 : vector<1x1024xi32>
    %jit3A_319 = arith.constant 1.000000e+00 : f32
    %jit3A_320 = arith.constant 0.000000e+00 : f32
    %broadcast_in_dim3A_321 = vector.broadcast %jit3A_319 : f32 to vector<1x1024xf32>
    %broadcast_in_dim3A_322 = vector.broadcast %jit3A_320 : f32 to vector<1x1024xf32>
    %select_n3A_323 = arith.select %gt3A_318, %broadcast_in_dim3A_321, %broadcast_in_dim3A_322 : vector<1x1024xi1>, vector<1x1024xf32>
    %tanh3A_324 = math.tanh %add3A_305 : vector<128x1024xf32>
    %mul3A_325 = vector.broadcast %select_n3A_323 : vector<1x1024xf32> to vector<128x1024xf32>
    %mul3A_326 = arith.mulf %tanh3A_324, %mul3A_325 : vector<128x1024xf32>
    %add3A_327 = arith.addf %add3A_282, %mul3A_326 : vector<128x1024xf32>
    %tanh3A_328 = math.tanh %add3A_312 : vector<128x1024xf32>
    %mul3A_329 = vector.broadcast %select_n3A_323 : vector<1x1024xf32> to vector<128x1024xf32>
    %mul3A_330 = arith.mulf %tanh3A_328, %mul3A_329 : vector<128x1024xf32>
    %add3A_331 = arith.addf %add3A_286, %mul3A_330 : vector<128x1024xf32>
    %get3A_332 = arith.constant 0 : index
    %get3A_333 = arith.constant 7 : index
    %get3A_334 = arith.constant 0 : index
    %get3A_335 = arith.constant 0 : index
    %get3A_336 = vector.load %arg3[%get3A_332, %get3A_333, %get3A_334, %get3A_335] : memref<10x8x1x1024xf32, #tpu.memory_space<vmem>>, vector<10x1x1x1024xf32>
    %get3A_337 = vector.shape_cast %get3A_336 : vector<10x1x1x1024xf32> to vector<10x1024xf32>
    %get3A_338 = arith.constant 0 : index
    %get3A_339 = arith.constant 7 : index
    %get3A_340 = arith.constant 0 : index
    %get3A_341 = arith.constant 0 : index
    %get3A_342 = vector.load %arg4[%get3A_338, %get3A_339, %get3A_340, %get3A_341] : memref<3x8x1x1024xf32, #tpu.memory_space<vmem>>, vector<3x1x1x1024xf32>
    %get3A_343 = vector.shape_cast %get3A_342 : vector<3x1x1x1024xf32> to vector<3x1024xf32>
    %slice3A_344 = vector.extract_strided_slice %dot_general3A_10 {offsets = [0, 7168], sizes = [128, 1024], strides = [1, 1]} : vector<128x8192xf32> to vector<128x1024xf32>
    %get3A_345 = arith.constant 0 : index
    %get3A_346 = arith.constant 0 : index
    %get3A_347 = vector.load %arg6[%get3A_345, %get3A_346] : memref<128x10xf32, #tpu.memory_space<vmem>>, vector<128x10xf32>
    %dot_general3A_348 = arith.constant dense<0.000000e+00> : vector<128x1024xf32>
    %dot_general3A_349 = tpu.matmul %get3A_347, %get3A_337, %dot_general3A_348 {dimension_numbers = #tpu.dot_dimension_numbers<[1], [0], [0], [1], [0, 0, 1, 1], [], []>, transpose_lhs_hint = false} : vector<128x10xf32>, vector<10x1024xf32>, vector<128x1024xf32> -> vector<128x1024xf32>
    %add3A_350 = arith.addf %slice3A_344, %dot_general3A_349 : vector<128x1024xf32>
    %slice3A_351 = vector.extract_strided_slice %dot_general3A_18 {offsets = [0, 7168], sizes = [128, 1024], strides = [1, 1]} : vector<128x8192xf32> to vector<128x1024xf32>
    %get3A_352 = arith.constant 0 : index
    %get3A_353 = arith.constant 0 : index
    %get3A_354 = vector.load %arg8[%get3A_352, %get3A_353] : memref<128x3xf32, #tpu.memory_space<vmem>>, vector<128x3xf32>
    %dot_general3A_355 = arith.constant dense<0.000000e+00> : vector<128x1024xf32>
    %dot_general3A_356 = tpu.matmul %get3A_354, %get3A_343, %dot_general3A_355 {dimension_numbers = #tpu.dot_dimension_numbers<[1], [0], [0], [1], [0, 0, 1, 1], [], []>, transpose_lhs_hint = false} : vector<128x3xf32>, vector<3x1024xf32>, vector<128x1024xf32> -> vector<128x1024xf32>
    %add3A_357 = arith.addf %slice3A_351, %dot_general3A_356 : vector<128x1024xf32>
    %mul3A_358 = arith.constant 8 : i32
    %mul3A_359 = arith.muli %arg0, %mul3A_358 : i32
    %add3A_360 = arith.constant 7 : i32
    %add3A_361 = arith.addi %mul3A_359, %add3A_360 : i32
    %gt3A_362 = vector.broadcast %add3A_361 : i32 to vector<1x1024xi32>
    %gt3A_363 = arith.cmpi sgt, %get3A_3, %gt3A_362 : vector<1x1024xi32>
    %jit3A_364 = arith.constant 1.000000e+00 : f32
    %jit3A_365 = arith.constant 0.000000e+00 : f32
    %broadcast_in_dim3A_366 = vector.broadcast %jit3A_364 : f32 to vector<1x1024xf32>
    %broadcast_in_dim3A_367 = vector.broadcast %jit3A_365 : f32 to vector<1x1024xf32>
    %select_n3A_368 = arith.select %gt3A_363, %broadcast_in_dim3A_366, %broadcast_in_dim3A_367 : vector<1x1024xi1>, vector<1x1024xf32>
    %tanh3A_369 = math.tanh %add3A_350 : vector<128x1024xf32>
    %mul3A_370 = vector.broadcast %select_n3A_368 : vector<1x1024xf32> to vector<128x1024xf32>
    %mul3A_371 = arith.mulf %tanh3A_369, %mul3A_370 : vector<128x1024xf32>
    %add3A_372 = arith.addf %add3A_327, %mul3A_371 : vector<128x1024xf32>
    %tanh3A_373 = math.tanh %add3A_357 : vector<128x1024xf32>
    %mul3A_374 = vector.broadcast %select_n3A_368 : vector<1x1024xf32> to vector<128x1024xf32>
    %mul3A_375 = arith.mulf %tanh3A_373, %mul3A_374 : vector<128x1024xf32>
    %add3A_376 = arith.addf %add3A_331, %mul3A_375 : vector<128x1024xf32>
    %swap3A = arith.constant 0 : index
    %swap3A_377 = arith.constant 0 : index
    %swap3A_378 = vector.load %arg15[%swap3A, %swap3A_377] : memref<128x1024xf32, #tpu.memory_space<vmem>>, vector<128x1024xf32>
    tpu.vector_store %arg15[%swap3A, %swap3A_377], %add3A_372 {strides = array<i32>} : memref<128x1024xf32, #tpu.memory_space<vmem>>, vector<128x1024xf32>,
    %swap3A_379 = arith.constant 0 : index
    %swap3A_380 = arith.constant 0 : index
    %swap3A_381 = vector.load %arg16[%swap3A_379, %swap3A_380] : memref<128x1024xf32, #tpu.memory_space<vmem>>, vector<128x1024xf32>
    tpu.vector_store %arg16[%swap3A_379, %swap3A_380], %add3A_376 {strides = array<i32>} : memref<128x1024xf32, #tpu.memory_space<vmem>>, vector<128x1024xf32>,
    %eq3A_382 = arith.constant 24 : i32
    %eq3A_383 = arith.cmpi eq, %arg0, %eq3A_382 : i32
    %convert_element_type3A_384 = arith.extui %eq3A_383 : i1 to i32
    %cond3A_385 = arith.constant 0 : i32
    %cond3A_386 = arith.cmpi ne, %convert_element_type3A_384, %cond3A_385 : i32
    scf.if %cond3A_386 {
      %convert_element_type3A_387 = arith.sitofp %get3A_3 : vector<1x1024xi32> to vector<1x1024xf32>
      %max3A = arith.constant 1.000000e+00 : f32
      %max3A_388 = vector.broadcast %max3A : f32 to vector<1x1024xf32>
      %max3A_389 = arith.maximumf %convert_element_type3A_387, %max3A_388 : vector<1x1024xf32>
      %div3A = vector.broadcast %max3A_389 : vector<1x1024xf32> to vector<128x1024xf32>
      %div3A_390 = arith.divf %add3A_372, %div3A : vector<128x1024xf32>
      %div3A_391 = vector.broadcast %max3A_389 : vector<1x1024xf32> to vector<128x1024xf32>
      %div3A_392 = arith.divf %add3A_376, %div3A_391 : vector<128x1024xf32>
      %get3A_393 = arith.constant 0 : index
      %get3A_394 = arith.constant 0 : index
      %get3A_395 = vector.load %arg9[%get3A_393, %get3A_394] : memref<10x128xf32, #tpu.memory_space<vmem>>, vector<10x128xf32>
      %dot_general3A_396 = arith.constant dense<0.000000e+00> : vector<10x1024xf32>
      %dot_general3A_397 = tpu.matmul %get3A_395, %div3A_390, %dot_general3A_396 {dimension_numbers = #tpu.dot_dimension_numbers<[1], [0], [0], [1], [0, 0, 1, 1], [], []>, transpose_lhs_hint = false} : vector<10x128xf32>, vector<128x1024xf32>, vector<10x1024xf32> -> vector<10x1024xf32>
      %get3A_398 = arith.constant 0 : index
      %get3A_399 = arith.constant 0 : index
      %get3A_400 = vector.load %arg10[%get3A_398, %get3A_399] : memref<10x1xf32, #tpu.memory_space<vmem>>, vector<10x1xf32>
      %add3A_401 = vector.broadcast %get3A_400 : vector<10x1xf32> to vector<10x1024xf32>
      %add3A_402 = arith.addf %dot_general3A_397, %add3A_401 : vector<10x1024xf32>
      %swap3A_403 = arith.constant 0 : index
      %swap3A_404 = arith.constant 0 : index
      %swap3A_405 = vector.load %arg13[%swap3A_403, %swap3A_404] : memref<10x1024xf32, #tpu.memory_space<vmem>>, vector<10x1024xf32>
      tpu.vector_store %arg13[%swap3A_403, %swap3A_404], %add3A_402 {strides = array<i32>} : memref<10x1024xf32, #tpu.memory_space<vmem>>, vector<10x1024xf32>,
      %get3A_406 = arith.constant 0 : index
      %get3A_407 = arith.constant 0 : index
      %get3A_408 = vector.load %arg11[%get3A_406, %get3A_407] : memref<3x128xf32, #tpu.memory_space<vmem>>, vector<3x128xf32>
      %dot_general3A_409 = arith.constant dense<0.000000e+00> : vector<3x1024xf32>
      %dot_general3A_410 = tpu.matmul %get3A_408, %div3A_392, %dot_general3A_409 {dimension_numbers = #tpu.dot_dimension_numbers<[1], [0], [0], [1], [0, 0, 1, 1], [], []>, transpose_lhs_hint = false} : vector<3x128xf32>, vector<128x1024xf32>, vector<3x1024xf32> -> vector<3x1024xf32>
      %get3A_411 = arith.constant 0 : index
      %get3A_412 = arith.constant 0 : index
      %get3A_413 = vector.load %arg12[%get3A_411, %get3A_412] : memref<3x1xf32, #tpu.memory_space<vmem>>, vector<3x1xf32>
      %add3A_414 = vector.broadcast %get3A_413 : vector<3x1xf32> to vector<3x1024xf32>
      %add3A_415 = arith.addf %dot_general3A_410, %add3A_414 : vector<3x1024xf32>
      %swap3A_416 = arith.constant 0 : index
      %swap3A_417 = arith.constant 0 : index
      %swap3A_418 = vector.load %arg14[%swap3A_416, %swap3A_417] : memref<3x1024xf32, #tpu.memory_space<vmem>>, vector<3x1024xf32>
      tpu.vector_store %arg14[%swap3A_416, %swap3A_417], %add3A_415 {strides = array<i32>} : memref<3x1024xf32, #tpu.memory_space<vmem>>, vector<3x1024xf32>,
    } else {
    }
    return
  }
  func.func @transform_0(%arg0: i32) -> (i32, i32) {
    %c0_i32 = arith.constant 0 : i32
    %c0_i32_0 = arith.constant 0 : i32
    %c0_i32_1 = arith.constant 0 : i32
    return %c0_i32, %c0_i32_0 : i32, i32
  }
  func.func @transform_1(%arg0: i32) -> (i32, i32) {
    %c0_i32 = arith.constant 0 : i32
    %c0_i32_0 = arith.constant 0 : i32
    return %c0_i32, %arg0 : i32, i32
  }
  func.func @transform_2(%arg0: i32) -> (i32, i32, i32, i32) {
    %c0_i32 = arith.constant 0 : i32
    %c0_i32_0 = arith.constant 0 : i32
    %c0_i32_1 = arith.constant 0 : i32
    %c0_i32_2 = arith.constant 0 : i32
    return %c0_i32, %arg0, %c0_i32_0, %c0_i32_1 : i32, i32, i32, i32
  }
  func.func @transform_3(%arg0: i32) -> (i32, i32, i32, i32) {
    %c0_i32 = arith.constant 0 : i32
    %c0_i32_0 = arith.constant 0 : i32
    %c0_i32_1 = arith.constant 0 : i32
    %c0_i32_2 = arith.constant 0 : i32
    return %c0_i32, %arg0, %c0_i32_0, %c0_i32_1 : i32, i32, i32, i32
  }
  func.func @transform_4(%arg0: i32) -> (i32, i32) {
    %c0_i32 = arith.constant 0 : i32
    %c0_i32_0 = arith.constant 0 : i32
    %c0_i32_1 = arith.constant 0 : i32
    return %c0_i32, %c0_i32_0 : i32, i32
  }
  func.func @transform_5(%arg0: i32) -> (i32, i32) {
    %c0_i32 = arith.constant 0 : i32
    %c0_i32_0 = arith.constant 0 : i32
    %c0_i32_1 = arith.constant 0 : i32
    return %c0_i32, %c0_i32_0 : i32, i32
  }
  func.func @transform_6(%arg0: i32) -> (i32, i32) {
    %c0_i32 = arith.constant 0 : i32
    %c0_i32_0 = arith.constant 0 : i32
    %c0_i32_1 = arith.constant 0 : i32
    return %c0_i32, %c0_i32_0 : i32, i32
  }
  func.func @transform_7(%arg0: i32) -> (i32, i32) {
    %c0_i32 = arith.constant 0 : i32
    %c0_i32_0 = arith.constant 0 : i32
    %c0_i32_1 = arith.constant 0 : i32
    return %c0_i32, %c0_i32_0 : i32, i32
  }
  func.func @transform_8(%arg0: i32) -> (i32, i32) {
    %c0_i32 = arith.constant 0 : i32
    %c0_i32_0 = arith.constant 0 : i32
    %c0_i32_1 = arith.constant 0 : i32
    return %c0_i32, %c0_i32_0 : i32, i32
  }
  func.func @transform_9(%arg0: i32) -> (i32, i32) {
    %c0_i32 = arith.constant 0 : i32
    %c0_i32_0 = arith.constant 0 : i32
    %c0_i32_1 = arith.constant 0 : i32
    return %c0_i32, %c0_i32_0 : i32, i32
  }
  func.func @transform_10(%arg0: i32) -> (i32, i32) {
    %c0_i32 = arith.constant 0 : i32
    %c0_i32_0 = arith.constant 0 : i32
    %c0_i32_1 = arith.constant 0 : i32
    return %c0_i32, %c0_i32_0 : i32, i32
  }
  func.func @transform_11(%arg0: i32) -> (i32, i32) {
    %c0_i32 = arith.constant 0 : i32
    %c0_i32_0 = arith.constant 0 : i32
    %c0_i32_1 = arith.constant 0 : i32
    return %c0_i32, %c0_i32_0 : i32, i32
  }
  func.func @transform_12(%arg0: i32) -> (i32, i32) {
    %c0_i32 = arith.constant 0 : i32
    %c0_i32_0 = arith.constant 0 : i32
    %c0_i32_1 = arith.constant 0 : i32
    return %c0_i32, %c0_i32_0 : i32, i32
  }
  func.func @transform_13(%arg0: i32) -> (i32, i32) {
    %c0_i32 = arith.constant 0 : i32
    %c0_i32_0 = arith.constant 0 : i32
    %c0_i32_1 = arith.constant 0 : i32
    return %c0_i32, %c0_i32_0 : i32, i32
  }
}

</mosaic_0001>

<sc_bundles>
// kernel: kernel.4.cloned.1.call-start
scs
__scs_entry_jumppad:
0x0: {  	(pc) =	sbr.rel $0x88, $3  }
0x1: {  	(tag) =	ssettag $0x0;
	lr =	simm.s32 $0x1  }
0x2: {  	[smem:$0x3F94] =	sst lr;
	_ =	strace $0xD0000000  }
0x3: {  	_ = 	snop  }
0x4: {  	_ = 	snop  }
0x5: {  	_ = 	snop  }
0x6: {  	_ = 	snop  }
0x7: {  	_ = 	snop  }
__scs_overlays_trampoline_lowered:
0x8: {  	[smem:$0x3FA3] =	sst s0  }
0x9: {  	[smem:$0x3FA4] =	sst s1  }
0xa: {  	[smem:$0x3FA5] =	sst s2  }
0xb: {  	[smem:$0x3FA6] =	sst s3  }
0xc: {  	[smem:$0x3FA7] =	sst s4  }
0xd: {  	[smem:$0x3FA8] =	sst s5  }
0xe: {  	[smem:$0x3FA9] =	sst s6  }
0xf: {  	[smem:$0x3FAA] =	sst s7  }
0x10: {  	[smem:$0x3FAB] =	sst s8  }
0x11: {  	[smem:$0x3FAC] =	sst s9;
	s0 =	simm.s32 @!p0 $0x0  }
0x12: {  	s1 =	sld [smem:$0x3F92];
	s0 =	simm.s32 @p0 $0x1  }
0x13: {  	[smem:$0x3FAD] =	sst s0;
	s0 =	simm.s32 @!p1 $0x0  }
0x14: {  	s2 =	sld [smem:$0x3F91];
	s0 =	simm.s32 @p1 $0x1  }
0x15: {  	[smem:$0x3FAE] =	sst s0;
	s0 =	simm.s32 @!p2 $0x0  }
0x16: {  	s3 =	sld [smem:$0x3FDB];
	s0 =	simm.s32 @p2 $0x1  }
0x17: {  	s4 =	simm.s32 $0x1BF5;
	[smem:$0x3FB0] =	sst s0  }
0x18: {  	s0 =	sld [smem:$0x3F93];
	_ =	swait.ge [sflag:s4], $0x0  }
0x19: {  	s7 =	sld [smem:$0x3F94]  }
0x1a: {  	s8 =	sadd.s32 $0xFFFFE003, lr  }
0x1b: {  	s9 =	sadd.s32 $0xFFFFFEF7, lr;
	s5 =	simm.s32 $0xFFFFFFFF;
	p2 =	slt.u32 s8, $0xFFFFF086  }
0x1c: {  	p1 =	slt.u32 s9, $0xF7A;
	s5 =	simm.s32 @!p2 $0x0  }
0x1d: {  	s5 =	simm.s32 @p1 $0x1;
	p0 =	seq.s32 s7, s2  }
0x1e: {  	s7 =	smul.u32 @!p0 $0xF7A, s2;
	p2 =	seq.s32 @!p0 s5, $0x0  }
0x1f: {  	s9 =	smul.u32 $0xF7A, s1;
	s8 =	simm.s32 @!p0 $0x1BF5;
	p2 =	por !p2, p0  }
0x20: {  	[sflag:s8] =	ssyncset.s32 @!p0 $0xFFFFF086;
	s6 =	sadd.s32 @!p0 s3, s7;
	s7 =	simm.s32 @!p0 $0x108  }
0x21: {  	s3 =	sadd.s32 s3, s9;
	s6 =	sadd.s32 @!p0 $0x88, s6;
	s7 =	simm.s32 @p2 $0x1082  }
0x22: {  	[simem:s7], [sflag:s8] =	dma.local @!p0 [hbm:s6], $0xF7A  }
0x23: {  	s9 =	sor.u32 $0xD0000000, s2;
	s6 =	simm.s32 $0x108;
	_ =	swait.ge @!p0 [sflag:s8], $0x0  }
0x24: {  	s3 =	sadd.s32 $0x88, s3;
	s6 =	simm.s32 @!p1 $0x1082;
	[sflag:s4] =	ssyncset.s32 $0xFFFFF086  }
0x25: {  	[simem:s6], [sflag:s4] =	dma.local [hbm:s3], $0xF7A  }
0x26: {  	[smem:$0x3F94] =	sst s1;
	(tag) =	ssettag s2;
	_ =	strace s9  }
0x27: {  	s1 =	sld [smem:$0x3FA4]  }
0x28: {  	s2 =	sld [smem:$0x3FA5]  }
0x29: {  	s4 =	sld [smem:$0x3FA7]  }
0x2a: {  	p0 =	seq.s32 s5, $0x0;
	s5 =	sld [smem:$0x3FA8]  }
0x2b: {  	s6 =	sld [smem:$0x3FA9]  }
0x2c: {  	s7 =	sld [smem:$0x3FAA]  }
0x2d: {  	s3 =	simm.s32 $0x108;
	s8 =	sld [smem:$0x3FAB]  }
0x2e: {  	s3 =	simm.s32 @!p0 $0x1082;
	s9 =	sld [smem:$0x3FAC]  }
0x2f: {  	lr =	sadd.s32 s0, s3;
	s0 =	sld [smem:$0x3FA3]  }
0x30: {  	s3 =	sld [smem:$0x3FA6]  }
0x31: {  	[smem:$0x3FAF] =	sst s10  }
0x32: {  	s10 =	sld [smem:$0x3FAD];
	_ =	sdelay $0x3  }
0x33: {  	p0 =	seq.s32 s10, $0x1;
	s10 =	sld [smem:$0x3FAF];
	_ =	sdelay $0x3  }
0x34: {  	[smem:$0x3FAF] =	sst s10  }
0x35: {  	s10 =	sld [smem:$0x3FAE];
	_ =	sdelay $0x3  }
0x36: {  	p1 =	seq.s32 s10, $0x1;
	s10 =	sld [smem:$0x3FAF];
	_ =	sdelay $0x3  }
0x37: {  	[smem:$0x3FAF] =	sst s10  }
0x38: {  	s10 =	sld [smem:$0x3FB0]  }
0x39: {  	_ = 	snop;
	(pc) =	sbr.ind lr, $3  }
0x3a: {  	_ = 	snop  }
0x3b: {  	_ = 	snop  }
0x3c: {  	p2 =	seq.s32 s10, $0x1;
	s10 =	sld [smem:$0x3FAF]  }
0x3d: {  	_ =	shalt  }
0x3e: {  	_ =	shalt  }
0x3f: {  	_ =	shalt  }
0x40: {  	_ =	shalt  }
0x41: {  	_ =	shalt  }
0x42: {  	_ =	shalt  }
0x43: {  	_ =	shalt  }
0x44: {  	_ =	shalt  }
0x45: {  	_ =	shalt  }
0x46: {  	_ =	shalt  }
0x47: {  	_ =	shalt  }
0x48: {  	_ =	shalt  }
0x49: {  	_ =	shalt  }
0x4a: {  	_ =	shalt  }
0x4b: {  	_ =	shalt  }
0x4c: {  	_ =	shalt  }
0x4d: {  	_ =	shalt  }
0x4e: {  	_ =	shalt  }
0x4f: {  	_ =	shalt  }
0x50: {  	_ =	shalt  }
0x51: {  	_ =	shalt  }
0x52: {  	_ =	shalt  }
0x53: {  	_ =	shalt  }
0x54: {  	_ =	shalt  }
0x55: {  	_ =	shalt  }
0x56: {  	_ =	shalt  }
0x57: {  	_ =	shalt  }
0x58: {  	_ =	shalt  }
0x59: {  	_ =	shalt  }
0x5a: {  	_ =	shalt  }
0x5b: {  	_ =	shalt  }
0x5c: {  	_ =	shalt  }
0x5d: {  	_ =	shalt  }
0x5e: {  	_ =	shalt  }
0x5f: {  	_ =	shalt  }
0x60: {  	_ =	shalt  }
0x61: {  	_ =	shalt  }
0x62: {  	_ =	shalt  }
0x63: {  	_ =	shalt  }
0x64: {  	_ =	shalt  }
0x65: {  	_ =	shalt  }
0x66: {  	_ =	shalt  }
0x67: {  	_ =	shalt  }
0x68: {  	_ =	shalt  }
0x69: {  	_ =	shalt  }
0x6a: {  	_ =	shalt  }
0x6b: {  	_ =	shalt  }
0x6c: {  	_ =	shalt  }
0x6d: {  	_ =	shalt  }
0x6e: {  	_ =	shalt  }
0x6f: {  	_ =	shalt  }
0x70: {  	_ =	shalt  }
0x71: {  	_ =	shalt  }
0x72: {  	_ =	shalt  }
0x73: {  	_ =	shalt  }
0x74: {  	_ =	shalt  }
0x75: {  	_ =	shalt  }
0x76: {  	_ =	shalt  }
0x77: {  	_ =	shalt  }
0x78: {  	_ =	shalt  }
0x79: {  	_ =	shalt  }
0x7a: {  	_ =	shalt  }
0x7b: {  	_ =	shalt  }
0x7c: {  	_ =	shalt  }
0x7d: {  	_ =	shalt  }
0x7e: {  	_ =	shalt  }
0x7f: {  	_ =	shalt  }
0x80: {  	_ =	shalt  }
0x81: {  	_ =	shalt  }
0x82: {  	_ =	shalt  }
0x83: {  	_ =	shalt  }
0x84: {  	_ =	shalt  }
0x85: {  	_ =	shalt  }
0x86: {  	_ =	shalt  }
0x87: {  	_ =	shalt  }
.Lfunc_end0:
.L_simem_size_0:
called_computation_lowered:
.L_overlay_start_0:
0x88: {  	s2 =	sld [smem:$0x3FD9]  }
0x89: {  	s3 =	sld [smem:$0x3FFE];
	_ =	sdelay $0x1  }
0x8a: {  	s1 =	srdreg.scid  }
0x8b: {  	s0 =	sand.u32 $0x1, s1  }
0x8c: {  	s17 =	sshll.u32 s0, $0xA;
	s2 =	sadd.s32 s3, s2  }
0x8d: {  	s2 =	sadd.s32 s2, s17  }
0x8e: {  	[smem:$0x3FBB] =	sst s2  }
0x8f: {  	_ = 	snop  }
0x90: {  	s2 =	sld [smem:$0x3FC5];
	(tm) =	ssettm $0x1  }
0x91: {  	s18 =	sld [smem:$0x3FFB];
	_ =	sdelay $0x3  }
0x92: {  	_ =	strace s18  }
0x93: {  	s3 =	sld [smem:$0x3FFC];
	_ =	sdelay $0x3  }
0x94: {  	_ =	strace s3  }
0x95: {  	s3 =	sld [smem:$0x3FFD];
	_ =	sdelay $0x3  }
0x96: {  	_ =	strace s3  }
0x97: {  	_ =	strace $0x8FFFFFFF  }
0x98: {  	s19 =	sld [smem:$0x3FDB];
	_ =	sdelay $0x1  }
0x99: {  	s4 =	simm.s32 $_scs_section_size  }
0x9a: {  	s5 =	simm.s32 $_size__tile_overlayer_lowered;
	s6 =	simm.s32 $_tile_overlayer_lowered  }
0x9b: {  	s22 =	simm.s32 $0x1BFF;
	s21 =	sshll.u32 s6, $0x1;
	s3 =	sadd.s32 s4, s19  }
0x9c: {  	s7 =	simm.s32 $0x0;
	s20 =	sshll.u32 s5, $0x1;
	s5 =	sadd.s32 s21, s3  }
0x9d: {  	[timem:s7], [sflag:s22] =	dma.local [hbm:s5], s20  }
0x9e: {  	_ =	swait.ge [sflag:s22], s20  }
0x9f: {  	s4 =	ssub.s32 $0x0, s20;
	[sflag:s22] =	ssyncset.done $0x0  }
0xa0: {  	[sflag:s22] =	ssyncadd.s32 s4;
	_ =	sdelay $0x1  }
0xa1: {  	s23 =	simm.s32 $0x1B8B  }
0xa2: {  	_ =	swait.ge [sflag:s23], $0x1  }
0xa3: {  	[sflag:s23] =	ssyncset.done $0x0  }
0xa4: {  	s25 =	simm.s32 $0x1B8E;
	s24 =	sld [smem:$0x3FFE];
	[sflag:s23] =	ssyncadd.s32 $0xFFFFFFFF  }
0xa5: {  	s26 =	simm.s32 $execute0_lowered;
	[smem:$0x3FD2] =	sst s25  }
0xa6: {  	s5 =	sshll.u32 s26, $0x1;
	_ =	strace $0x80000046;
	[dreg:$0x1] =	wrdreg $0xFFFFFFFF  }
0xa7: {  	s28 =	simm.s32 $_size_execute0_lowered;
	s3 =	sadd.s32 s3, s5;
	[dreg:$0x0] =	wrdreg $0x0  }
0xa8: {  	s5 =	sshll.u32 s28, $0x1;
	[dreg:$0x2] =	wrdreg s3  }
0xa9: {  	[dreg:$0x3] =	wrdreg s5  }
0xaa: {  	[dreg:$0x4] =	wrdreg $0xC0  }
0xab: {  	_ =	task [dreg:s7], $0x5FFFF  }
0xac: {  	[dreg:$0x1] =	wrdreg $0xFFFFFFFF  }
0xad: {  	[dreg:$0x0] =	wrdreg $0x60  }
0xae: {  	[dreg:$0x2] =	wrdreg s24  }
0xaf: {  	[dreg:$0x3] =	wrdreg s2  }
0xb0: {  	[dreg:$0x4] =	wrdreg $0x9  }
0xb1: {  	_ =	task.clear_ibuf [dreg:s7], $0x5FFFF;
	_ =	strace $0x90000046  }
0xb2: {  	s29 =	simm.s32 $0x9;
	_ =	strace $0x80000048  }
0xb3: {  	_ =	swait.ge [sflag:s29], $0x1  }
0xb4: {  	[sflag:s29] =	ssyncadd.s32 $0xFFFFFFFF  }
0xb5: {  	_ =	strace $0x90000048  }
0xb6: {  	_ =	sfence  }
0xb7: {  	s30 =	sld [smem:$0x0];
	_ =	sdelay $0x2  }
0xb8: {  	s31 =	sshll.u32 s1, $0xD;
	s1 =	sshrl.u32 s1, $0x2  }
0xb9: {  	s3 =	sand.u32 $0x4000, s31;
	s1 =	sadd.s32 s1, s30  }
0xba: {  	s0 =	sor.u32 s3, s0;
	s1 =	sshll.u32 s1, $0x11  }
0xbb: {  	s0 =	sor.u32 s1, s0  }
0xbc: {  	s0 =	sadd.s32 $0x8F2B, s0  }
0xbd: {  	[sflag:s0] =	ssyncadd.remote.s32 $0x1  }
0xbe: {  	_ =	sfence.sel $0xFFFF  }
0xbf: {  	[dreg:$0x0] =	wrdreg $0xFFFFFFFF;
	(pc) =	sbr.abs _section_cstart, $3  }
0xc0: {  	[dreg:$0x1] =	wrdreg $0xFFFFFFFF  }
0xc1: {  	_ =	task.clear_ibuf [dreg:s7], $0x2FFFF;
	_ =	strace $0x9FFFFFFF  }
0xc2: {  	(tm) =	ssettm $0x7FFFFFFF  }
0xc3: {  	_ =	shalt  }
tec
execute0_lowered:
.L_overlay_start_1:
0x0: {  	(tag) =	ssettag $0x1  }
0x1: {  	s7 =	rddreg [dreg:$0x0]  }
0x2: {  	s9 =	rddreg [dreg:$0x1]  }
0x3: {  	s0 =	rddreg [dreg:$0x2];
	s1 =	simm.s32 $0x0;
	s4 =	srdreg.scid  }
0x4: {  	s2 =	stileid.u32;
	s15 =	simm.s32 $0x5;
	s16 =	simm.s32 $0x18700  }
0x5: {  	s17 =	simm.s32 $0x1A000;
	s18 =	simm.s32 $0x1;
	s19 =	simm.s32 $0x1B900  }
0x6: {  	s20 =	simm.s32 $0x2;
	s21 =	simm.s32 $0x4;
	s22 =	simm.s32 $0x1D200  }
0x7: {  	s23 =	simm.s32 $0x3;
	s24 =	simm.s32 $0x0;
	[smem:$0x7FF] =	sst s1  }
0x8: {  	s3 =	sadd.s32 $0x1C00, s7;
	s4 =	sand.u32 $0x1, s4;
	s6 =	sshll.u32 s2, $0x9  }
0x9: {  	s8 =	sshrl.u32 s2, $0x1;
	_ =	strace $0x80000047;
	s5 =	ssub.s32 $0x2, s4  }
0xa: {  	s10 =	sshll.u32 s4, $0x8;
	s6 =	sand.u32 $0x200, s6;
	s11 =	smul.u32 $0xC3800, s8  }
0xb: {  	s4 =	sadd.s32 $0x8000, s7;
	s13 =	smul.u32 $0x190000, s8;
	s6 =	sor.u32 s10, s6  }
0xc: {  	s7 =	sadd.s32 $0x1F20, s7;
	s12 =	sshrl.u32 s5, $0x1;
	s10 =	sor.u32 s11, s6  }
.Ltmp0:
0xd: {  	s14 =	sor.u32 $0x80, s6;
	s12 =	ssub.s32 s5, s12;
	(pc) =	sbr.rel .LBB2_1-.Ltmp0, $4  }
0xe: {  	s6 =	sor.u32 s6, s13;
	s29 =	sshrl.u32 s10, $0x3;
	s30 =	sor.u32 s11, s14  }
0xf: {  	s8 =	sor.u32 $0xC800, s6;
	s10 =	sor.u32 s14, s13;
	s11 =	sor.u32 $0xC880, s6  }
0x10: {  	s12 =	smax.u32 s12, $0x1;
	s13 =	simm.s32 $0x80;
	s31 =	sshrl.u32 s30, $0x3  }
0x11: {  	s14 =	simm.s32 $0x400;
	s5 =	sadd.s32 s9, s29;
	s9 =	sadd.s32 s9, s31  }
.LBB2_19:
0x12: {  	s24 =	sadd.s32 $0x1, s24  }
0x13: {  	_ =	swait.ge [sflag:s23], $0x1900;
	p0 =	sne.s32 s24, s12  }
.Ltmp1:
0x14: {  	[sflag:s23] =	ssyncset.done $0x0;
	(pc) =	sbr.rel @!p0 .LBB2_20-.Ltmp1, $4  }
0x15: {  	[sflag:s23] =	ssyncadd.s32 $0xFFFFE700  }
0x16: {  	_ =	swait.ge [sflag:s21], $0x1900  }
0x17: {  	[sflag:s21] =	ssyncset.done $0x0  }
0x18: {  	[sflag:s21] =	ssyncadd.s32 $0xFFFFE700  }
.LBB2_1:
0x19: {  	[tilespmem:s1], [sflag:$0x5] =	stream.strided.gather [hbm4b:s5+s13], $0x18700, s14, s13, $0x38;
	[tilespmem:$0x1EB00] =	vst v63  }
0x1a: {  	_ =	swait.ge [sflag:s15], $0x18700  }
0x1b: {  	[sflag:s15] =	ssyncset.done $0x0  }
0x1c: {  	[sflag:s15] =	ssyncadd.s32 $0xFFFE7900  }
0x1d: {  	[tilespmem:s16], [sflag:$0x1] =	stream.linear.gather [hbm4b:s3+s1], $0x1900, $0x38;
	[tilespmem:$0x1EB00] =	vst v63  }
0x1e: {  	s25 =	simm.s32 $0x0  }
0x1f: {  	[tilespmem:s17], [sflag:$0x2] =	stream.linear.gather [hbm4b:s7+s1], $0x1900, $0x38;
	[tilespmem:$0x1EB00] =	vst v63  }
.LBB2_2:
0x20: {  	_ =	swait.ge [sflag:s18], $0x1900  }
0x21: {  	p0 =	seq.s32 s25, $0x0;
	[sflag:s18] =	ssyncset.done $0x0  }
0x22: {  	s26 =	simm.s32 @!p0 $0x3;
	[sflag:s18] =	ssyncadd.s32 $0xFFFFE700  }
0x23: {  	_ =	swait.ge @!p0 [sflag:s26], $0x1900  }
0x24: {  	[sflag:s26] =	ssyncset.done @!p0 $0x0  }
0x25: {  	s31 =	simm.s32 $0x18740;
	[sflag:s26] =	ssyncadd.s32 @!p0 $0xFFFFE700  }
0x26: {  	v0 =	vld [tilespmem:s31+$0x30]  }
0x27: {  	v1 =	vld [tilespmem:s31+$0xFFFFFFD0]  }
0x28: {  	v2 =	vld [tilespmem:s31+$0xFFFFFFE0]  }
0x29: {  	v3 =	vld [tilespmem:s31+$0xFFFFFFF0]  }
0x2a: {  	v6 =	vld [tilespmem:s31+$0x0]  }
0x2b: {  	v7 =	vld [tilespmem:s31+$0x10]  }
0x2c: {  	v8 =	vld [tilespmem:s31+$0x20]  }
0x2d: {  	v9 =	vld [tilespmem:s31+$0xFFFFFFC0]  }
0x2e: {  	v10 =	vld.idx.msk [tilespmem:v0+s1+$0x0], $0xffff  }
0x2f: {  	v11 =	vld.idx.msk [tilespmem:v1+s1+$0x0], $0xffff  }
0x30: {  	v5 =	vld.idx.msk [tilespmem:v2+s1+$0x0], $0xffff  }
0x31: {  	v4 =	vld.idx.msk [tilespmem:v3+s1+$0x0], $0xffff  }
0x32: {  	v1 =	vld.idx.msk [tilespmem:v6+s1+$0x0], $0xffff  }
0x33: {  	s28 =	simm.s32 $0x1B940;
	v2 =	vld.idx.msk [tilespmem:v7+s1+$0x0], $0xffff  }
0x34: {  	v0 =	vld.idx.msk [tilespmem:v8+s1+$0x0], $0xffff;
	[tilespmem:s28+$0x30] =	vst v10  }
0x35: {  	s29 =	simm.s32 $0x187C0;
	s26 =	simm.s32 $0x0;
	v3 =	vld.idx.msk [tilespmem:v9+s1+$0x0], $0xffff;
	[tilespmem:s28+$0xFFFFFFD0] =	vst v11  }
.LBB2_3:
0x36: {  	v6 =	vld [tilespmem:s29+$0x30];
	s26 =	sadd.s32 $0x80, s26;
	[tilespmem:s28+$0xFFFFFFE0] =	vst v5  }
0x37: {  	v5 =	vld [tilespmem:s29+$0xFFFFFFD0];
	p1 =	slt.u32 s26, $0x1880;
	[tilespmem:s28+$0xFFFFFFF0] =	vst v4  }
0x38: {  	v4 =	vld [tilespmem:s29+$0xFFFFFFE0];
	[tilespmem:s28+$0x0] =	vst v1  }
0x39: {  	v1 =	vld [tilespmem:s29+$0xFFFFFFF0];
	[tilespmem:s28+$0x10] =	vst v2  }
0x3a: {  	v2 =	vld [tilespmem:s29+$0x0];
	[tilespmem:s28+$0x20] =	vst v0  }
0x3b: {  	v0 =	vld [tilespmem:s29+$0x10];
	[tilespmem:s28+$0xFFFFFFC0] =	vst v3  }
0x3c: {  	v3 =	vld [tilespmem:s29+$0x20]  }
0x3d: {  	v7 =	vld [tilespmem:s29+$0xFFFFFFC0]  }
0x3e: {  	v6 =	vld.idx.msk [tilespmem:v6+s1+$0x0], $0xffff  }
0x3f: {  	v8 =	vld.idx.msk [tilespmem:v5+s1+$0x0], $0xffff  }
0x40: {  	v5 =	vld.idx.msk [tilespmem:v4+s1+$0x0], $0xffff  }
.Ltmp2:
0x41: {  	v4 =	vld.idx.msk [tilespmem:v1+s1+$0x0], $0xffff;
	(pc) =	sbr.rel @p1 .LBB2_3-.Ltmp2, $4  }
0x42: {  	v1 =	vld.idx.msk [tilespmem:v2+s1+$0x0], $0xffff  }
0x43: {  	s28 =	sadd.s32 $0x80, s28;
	v2 =	vld.idx.msk [tilespmem:v0+s1+$0x0], $0xffff  }
0x44: {  	v0 =	vld.idx.msk [tilespmem:v3+s1+$0x0], $0xffff;
	[tilespmem:s28+$0x30] =	vst v6  }
0x45: {  	s29 =	sadd.s32 $0x80, s29;
	v3 =	vld.idx.msk [tilespmem:v7+s1+$0x0], $0xffff;
	[tilespmem:s28+$0xFFFFFFD0] =	vst v8  }
0x46: {  	[tilespmem:s28+$0xFFFFFFE0] =	vst v5  }
0x47: {  	[tilespmem:s28+$0xFFFFFFF0] =	vst v4;
	s26 =	smul.u32 $0x19000, s25;
	p1 =	sne.s32 s25, $0xF  }
.Ltmp3:
0x48: {  	[tilespmem:s28+$0x0] =	vst v1;
	(pc) =	sbr.rel @p1 .LBB2_6-.Ltmp3, $4  }
0x49: {  	[tilespmem:s28+$0x10] =	vst v2;
	s29 =	sadd.s32 s6, s26  }
0x4a: {  	[tilespmem:s28+$0x20] =	vst v0;
	s29 =	sshrl.u32 s29, $0x3  }
0x4b: {  	[tilespmem:s28+$0xFFFFFFC0] =	vst v3;
	s31 =	sadd.s32 s4, s29  }
0x4c: {  	[hbm4b:s31+s13] =	stream.strided.scatter [tilespmem:s19], [sflag:$0x3], $0x1900, s14, s13, $0x38;
	[tilespmem:$0x1EB00] =	vst v63  }
.Ltmp4:
0x4d: {  	(pc) =	sbr.rel .LBB2_7-.Ltmp4, $4  }
0x4e: {  	_ = 	snop  }
0x4f: {  	_ =	swait.ge [sflag:s20], $0x1900  }
0x50: {  	[sflag:s20] =	ssyncset.done $0x0  }
0x51: {  	[sflag:s20] =	ssyncadd.s32 $0xFFFFE700  }
.LBB2_6:
0x52: {  	s28 =	smul.u32 $0x3200, s25;
	_ =	sdelay $0x1  }
0x53: {  	s28 =	sshrl.u32 s28, $0x3  }
0x54: {  	s28 =	sadd.s32 s3, s28  }
.Ltmp5:
0x55: {  	s28 =	sadd.s32 $0x640, s28;
	(pc) =	sbr.rel @p0 .LBB2_8-.Ltmp5, $4  }
0x56: {  	[tilespmem:s16], [sflag:$0x1] =	stream.linear.gather [hbm4b:s28+s1], $0x1900, $0x38;
	[tilespmem:$0x1EB00] =	vst v63  }
0x57: {  	_ =	swait.ge [sflag:s20], $0x1900  }
0x58: {  	[sflag:s20] =	ssyncset.done $0x0  }
0x59: {  	[sflag:s20] =	ssyncadd.s32 $0xFFFFE700  }
.LBB2_7:
0x5a: {  	_ =	swait.ge [sflag:s21], $0x1900  }
0x5b: {  	[sflag:s21] =	ssyncset.done $0x0  }
0x5c: {  	[sflag:s21] =	ssyncadd.s32 $0xFFFFE700  }
.LBB2_8:
0x5d: {  	s28 =	simm.s32 $0x1A040  }
0x5e: {  	v0 =	vld [tilespmem:s28+$0x30]  }
0x5f: {  	v1 =	vld [tilespmem:s28+$0xFFFFFFD0]  }
0x60: {  	v2 =	vld [tilespmem:s28+$0xFFFFFFE0]  }
0x61: {  	v3 =	vld [tilespmem:s28+$0xFFFFFFF0]  }
0x62: {  	v6 =	vld [tilespmem:s28+$0x0]  }
0x63: {  	v7 =	vld [tilespmem:s28+$0x10]  }
0x64: {  	v8 =	vld [tilespmem:s28+$0x20]  }
0x65: {  	v9 =	vld [tilespmem:s28+$0xFFFFFFC0]  }
0x66: {  	v10 =	vld.idx.msk [tilespmem:v0+s1+$0x0], $0xffff  }
0x67: {  	v11 =	vld.idx.msk [tilespmem:v1+s1+$0x0], $0xffff  }
0x68: {  	v5 =	vld.idx.msk [tilespmem:v2+s1+$0x0], $0xffff  }
0x69: {  	v4 =	vld.idx.msk [tilespmem:v3+s1+$0x0], $0xffff  }
0x6a: {  	v1 =	vld.idx.msk [tilespmem:v6+s1+$0x0], $0xffff  }
0x6b: {  	s28 =	simm.s32 $0x1D240;
	v2 =	vld.idx.msk [tilespmem:v7+s1+$0x0], $0xffff  }
0x6c: {  	v0 =	vld.idx.msk [tilespmem:v8+s1+$0x0], $0xffff;
	[tilespmem:s28+$0x30] =	vst v10  }
0x6d: {  	s29 =	simm.s32 $0x0;
	s30 =	simm.s32 $0x1A0C0;
	v3 =	vld.idx.msk [tilespmem:v9+s1+$0x0], $0xffff;
	[tilespmem:s28+$0xFFFFFFD0] =	vst v11  }
.LBB2_9:
0x6e: {  	v6 =	vld [tilespmem:s30+$0x30];
	s29 =	sadd.s32 $0x80, s29;
	[tilespmem:s28+$0xFFFFFFE0] =	vst v5  }
0x6f: {  	v5 =	vld [tilespmem:s30+$0xFFFFFFD0];
	p0 =	slt.u32 s29, $0x1880;
	[tilespmem:s28+$0xFFFFFFF0] =	vst v4  }
0x70: {  	v4 =	vld [tilespmem:s30+$0xFFFFFFE0];
	[tilespmem:s28+$0x0] =	vst v1  }
0x71: {  	v1 =	vld [tilespmem:s30+$0xFFFFFFF0];
	[tilespmem:s28+$0x10] =	vst v2  }
0x72: {  	v2 =	vld [tilespmem:s30+$0x0];
	[tilespmem:s28+$0x20] =	vst v0  }
0x73: {  	v0 =	vld [tilespmem:s30+$0x10];
	[tilespmem:s28+$0xFFFFFFC0] =	vst v3  }
0x74: {  	v3 =	vld [tilespmem:s30+$0x20]  }
0x75: {  	v7 =	vld [tilespmem:s30+$0xFFFFFFC0]  }
0x76: {  	v6 =	vld.idx.msk [tilespmem:v6+s1+$0x0], $0xffff  }
0x77: {  	v8 =	vld.idx.msk [tilespmem:v5+s1+$0x0], $0xffff  }
0x78: {  	v5 =	vld.idx.msk [tilespmem:v4+s1+$0x0], $0xffff  }
.Ltmp6:
0x79: {  	v4 =	vld.idx.msk [tilespmem:v1+s1+$0x0], $0xffff;
	(pc) =	sbr.rel @p0 .LBB2_9-.Ltmp6, $4  }
0x7a: {  	v1 =	vld.idx.msk [tilespmem:v2+s1+$0x0], $0xffff  }
0x7b: {  	s28 =	sadd.s32 $0x80, s28;
	v2 =	vld.idx.msk [tilespmem:v0+s1+$0x0], $0xffff  }
0x7c: {  	v0 =	vld.idx.msk [tilespmem:v3+s1+$0x0], $0xffff;
	[tilespmem:s28+$0x30] =	vst v6  }
0x7d: {  	s30 =	sadd.s32 $0x80, s30;
	v3 =	vld.idx.msk [tilespmem:v7+s1+$0x0], $0xffff;
	[tilespmem:s28+$0xFFFFFFD0] =	vst v8  }
0x7e: {  	[tilespmem:s28+$0xFFFFFFE0] =	vst v5  }
0x7f: {  	[tilespmem:s28+$0xFFFFFFF0] =	vst v4;
	p0 =	seq.s32 s25, $0xF  }
.Ltmp7:
0x80: {  	[tilespmem:s28+$0x0] =	vst v1;
	(pc) =	sbr.rel @p0 .LBB2_12-.Ltmp7, $4  }
0x81: {  	s26 =	sadd.s32 s26, s8;
	[tilespmem:s28+$0x10] =	vst v2  }
0x82: {  	s26 =	sshrl.u32 s26, $0x3;
	[tilespmem:s28+$0x20] =	vst v0  }
0x83: {  	s26 =	sadd.s32 s4, s26;
	[tilespmem:s28+$0xFFFFFFC0] =	vst v3  }
0x84: {  	[hbm4b:s26+s13] =	stream.strided.scatter [tilespmem:s22], [sflag:$0x4], $0x1900, s14, s13, $0x38;
	[tilespmem:$0x1EB00] =	vst v63  }
0x85: {  	s26 =	smul.u32 $0x3200, s25  }
.Ltmp8:
0x86: {  	_ = 	snop;
	(pc) =	sbr.rel .LBB2_2-.Ltmp8, $4  }
0x87: {  	s26 =	sshrl.u32 s26, $0x3  }
0x88: {  	s26 =	sadd.s32 s3, s26  }
0x89: {  	s25 =	sadd.s32 $0x1, s25;
	s26 =	sadd.s32 $0x960, s26  }
0x8a: {  	[tilespmem:s17], [sflag:$0x2] =	stream.linear.gather [hbm4b:s26+s1], $0x1900, $0x38;
	[tilespmem:$0x1EB00] =	vst v63  }
.LBB2_12:
0x8b: {  	s25 =	simm.s32 $0x0  }
0x8c: {  	[tilespmem:s25], [sflag:$0x5] =	stream.strided.gather [hbm4b:s9+s13], $0x18700, s14, s13, $0x38;
	[tilespmem:$0x1EB00] =	vst v63  }
0x8d: {  	_ =	swait.ge [sflag:s15], $0x18700  }
0x8e: {  	[sflag:s15] =	ssyncset.done $0x0  }
0x8f: {  	[sflag:s15] =	ssyncadd.s32 $0xFFFE7900  }
0x90: {  	[tilespmem:s16], [sflag:$0x1] =	stream.linear.gather [hbm4b:s3+s25], $0x1900, $0x38;
	[tilespmem:$0x1EB00] =	vst v63  }
0x91: {  	_ = 	snop  }
0x92: {  	[tilespmem:s17], [sflag:$0x2] =	stream.linear.gather [hbm4b:s7+s25], $0x1900, $0x38;
	[tilespmem:$0x1EB00] =	vst v63  }
.LBB2_13:
0x93: {  	_ =	swait.ge [sflag:s18], $0x1900  }
0x94: {  	[sflag:s18] =	ssyncset.done $0x0  }
0x95: {  	[sflag:s18] =	ssyncadd.s32 $0xFFFFE700  }
0x96: {  	_ =	swait.ge [sflag:s23], $0x1900  }
0x97: {  	[sflag:s23] =	ssyncset.done $0x0  }
0x98: {  	s26 =	simm.s32 $0x18740;
	[sflag:s23] =	ssyncadd.s32 $0xFFFFE700  }
0x99: {  	v0 =	vld [tilespmem:s26+$0x30]  }
0x9a: {  	v1 =	vld [tilespmem:s26+$0xFFFFFFD0]  }
0x9b: {  	v2 =	vld [tilespmem:s26+$0xFFFFFFE0]  }
0x9c: {  	v4 =	vld [tilespmem:s26+$0xFFFFFFF0]  }
0x9d: {  	v5 =	vld [tilespmem:s26+$0x0]  }
0x9e: {  	v6 =	vld [tilespmem:s26+$0x10]  }
0x9f: {  	v7 =	vld [tilespmem:s26+$0x20]  }
0xa0: {  	v8 =	vld [tilespmem:s26+$0xFFFFFFC0]  }
0xa1: {  	v9 =	vld.idx.msk [tilespmem:v0+s1+$0x0], $0xffff  }
0xa2: {  	v10 =	vld.idx.msk [tilespmem:v1+s1+$0x0], $0xffff  }
0xa3: {  	v3 =	vld.idx.msk [tilespmem:v2+s1+$0x0], $0xffff  }
0xa4: {  	s26 =	smul.u32 $0x19000, s25;
	v1 =	vld.idx.msk [tilespmem:v4+s1+$0x0], $0xffff  }
0xa5: {  	v0 =	vld.idx.msk [tilespmem:v5+s1+$0x0], $0xffff  }
0xa6: {  	s28 =	simm.s32 $0x1B940;
	s29 =	sadd.s32 s10, s26;
	v2 =	vld.idx.msk [tilespmem:v6+s1+$0x0], $0xffff  }
0xa7: {  	s29 =	sshrl.u32 s29, $0x3;
	v4 =	vld.idx.msk [tilespmem:v7+s1+$0x0], $0xffff;
	[tilespmem:s28+$0x30] =	vst v9  }
0xa8: {  	s30 =	simm.s32 $0x0;
	s31 =	simm.s32 $0x187C0;
	s29 =	sadd.s32 s4, s29;
	v5 =	vld.idx.msk [tilespmem:v8+s1+$0x0], $0xffff;
	[tilespmem:s28+$0xFFFFFFD0] =	vst v10  }
.LBB2_14:
0xa9: {  	v6 =	vld [tilespmem:s31+$0x30];
	s30 =	sadd.s32 $0x80, s30;
	[tilespmem:s28+$0xFFFFFFE0] =	vst v3  }
0xaa: {  	v3 =	vld [tilespmem:s31+$0xFFFFFFD0];
	p0 =	slt.u32 s30, $0x1880;
	[tilespmem:s28+$0xFFFFFFF0] =	vst v1  }
0xab: {  	v1 =	vld [tilespmem:s31+$0xFFFFFFE0];
	[tilespmem:s28+$0x0] =	vst v0  }
0xac: {  	v0 =	vld [tilespmem:s31+$0xFFFFFFF0];
	[tilespmem:s28+$0x10] =	vst v2  }
0xad: {  	v2 =	vld [tilespmem:s31+$0x0];
	[tilespmem:s28+$0x20] =	vst v4  }
0xae: {  	v4 =	vld [tilespmem:s31+$0x10];
	[tilespmem:s28+$0xFFFFFFC0] =	vst v5  }
0xaf: {  	v5 =	vld [tilespmem:s31+$0x20]  }
0xb0: {  	v7 =	vld [tilespmem:s31+$0xFFFFFFC0]  }
0xb1: {  	v6 =	vld.idx.msk [tilespmem:v6+s1+$0x0], $0xffff  }
0xb2: {  	v8 =	vld.idx.msk [tilespmem:v3+s1+$0x0], $0xffff  }
0xb3: {  	v3 =	vld.idx.msk [tilespmem:v1+s1+$0x0], $0xffff  }
.Ltmp9:
0xb4: {  	v1 =	vld.idx.msk [tilespmem:v0+s1+$0x0], $0xffff;
	(pc) =	sbr.rel @p0 .LBB2_14-.Ltmp9, $4  }
0xb5: {  	v0 =	vld.idx.msk [tilespmem:v2+s1+$0x0], $0xffff  }
0xb6: {  	s28 =	sadd.s32 $0x80, s28;
	v2 =	vld.idx.msk [tilespmem:v4+s1+$0x0], $0xffff  }
0xb7: {  	v4 =	vld.idx.msk [tilespmem:v5+s1+$0x0], $0xffff;
	[tilespmem:s28+$0x30] =	vst v6  }
0xb8: {  	s31 =	sadd.s32 $0x80, s31;
	v5 =	vld.idx.msk [tilespmem:v7+s1+$0x0], $0xffff;
	[tilespmem:s28+$0xFFFFFFD0] =	vst v8  }
0xb9: {  	[tilespmem:s28+$0xFFFFFFE0] =	vst v3  }
0xba: {  	[tilespmem:s28+$0xFFFFFFF0] =	vst v1  }
0xbb: {  	[tilespmem:s28+$0x0] =	vst v0  }
0xbc: {  	[tilespmem:s28+$0x10] =	vst v2  }
0xbd: {  	p0 =	seq.s32 s25, $0xF;
	[tilespmem:s28+$0x20] =	vst v4  }
0xbe: {  	[tilespmem:s28+$0xFFFFFFC0] =	vst v5;
	s28 =	smul.u32 @!p0 $0x3200, s25  }
0xbf: {  	[hbm4b:s29+s13] =	stream.strided.scatter [tilespmem:s19], [sflag:$0x3], $0x1900, s14, s13, $0x38;
	[tilespmem:$0x1EB00] =	vst v63  }
0xc0: {  	s28 =	sshrl.u32 @!p0 s28, $0x3  }
0xc1: {  	s28 =	sadd.s32 @!p0 s3, s28  }
0xc2: {  	s30 =	simm.s32 @!p0 $0x18700;
	s29 =	simm.s32 @!p0 $0x0;
	s28 =	sadd.s32 @!p0 $0x640, s28  }
0xc3: {  	[tilespmem:s30], [sflag:$0x1] =	stream.linear.gather @!p0 [hbm4b:s28+s29], $0x1900, $0x38;
	[tilespmem:$0x1EB00] =	vst v63  }
0xc4: {  	_ =	swait.ge [sflag:s20], $0x1900  }
0xc5: {  	[sflag:s20] =	ssyncset.done $0x0  }
0xc6: {  	[sflag:s20] =	ssyncadd.s32 $0xFFFFE700  }
0xc7: {  	_ =	swait.ge [sflag:s21], $0x1900  }
0xc8: {  	[sflag:s21] =	ssyncset.done $0x0  }
0xc9: {  	s28 =	simm.s32 $0x1A040;
	[sflag:s21] =	ssyncadd.s32 $0xFFFFE700  }
0xca: {  	v0 =	vld [tilespmem:s28+$0x30]  }
0xcb: {  	v1 =	vld [tilespmem:s28+$0xFFFFFFD0]  }
0xcc: {  	v2 =	vld [tilespmem:s28+$0xFFFFFFE0]  }
0xcd: {  	v3 =	vld [tilespmem:s28+$0xFFFFFFF0]  }
0xce: {  	v5 =	vld [tilespmem:s28+$0x0]  }
0xcf: {  	v6 =	vld [tilespmem:s28+$0x10]  }
0xd0: {  	v7 =	vld [tilespmem:s28+$0x20]  }
0xd1: {  	v8 =	vld [tilespmem:s28+$0xFFFFFFC0]  }
0xd2: {  	v9 =	vld.idx.msk [tilespmem:v0+s1+$0x0], $0xffff  }
0xd3: {  	v10 =	vld.idx.msk [tilespmem:v1+s1+$0x0], $0xffff  }
0xd4: {  	v4 =	vld.idx.msk [tilespmem:v2+s1+$0x0], $0xffff  }
0xd5: {  	v1 =	vld.idx.msk [tilespmem:v3+s1+$0x0], $0xffff  }
0xd6: {  	v0 =	vld.idx.msk [tilespmem:v5+s1+$0x0], $0xffff  }
0xd7: {  	s28 =	sadd.s32 s26, s11;
	s26 =	simm.s32 $0x1D240;
	v2 =	vld.idx.msk [tilespmem:v6+s1+$0x0], $0xffff  }
0xd8: {  	s28 =	sshrl.u32 s28, $0x3;
	v3 =	vld.idx.msk [tilespmem:v7+s1+$0x0], $0xffff;
	[tilespmem:s26+$0x30] =	vst v9  }
0xd9: {  	s29 =	simm.s32 $0x0;
	s30 =	simm.s32 $0x1A0C0;
	s28 =	sadd.s32 s4, s28;
	v5 =	vld.idx.msk [tilespmem:v8+s1+$0x0], $0xffff;
	[tilespmem:s26+$0xFFFFFFD0] =	vst v10  }
.LBB2_16:
0xda: {  	v6 =	vld [tilespmem:s30+$0x30];
	s29 =	sadd.s32 $0x80, s29;
	[tilespmem:s26+$0xFFFFFFE0] =	vst v4  }
0xdb: {  	v4 =	vld [tilespmem:s30+$0xFFFFFFD0];
	p1 =	slt.u32 s29, $0x1880;
	[tilespmem:s26+$0xFFFFFFF0] =	vst v1  }
0xdc: {  	v1 =	vld [tilespmem:s30+$0xFFFFFFE0];
	[tilespmem:s26+$0x0] =	vst v0  }
0xdd: {  	v0 =	vld [tilespmem:s30+$0xFFFFFFF0];
	[tilespmem:s26+$0x10] =	vst v2  }
0xde: {  	v2 =	vld [tilespmem:s30+$0x0];
	[tilespmem:s26+$0x20] =	vst v3  }
0xdf: {  	v3 =	vld [tilespmem:s30+$0x10];
	[tilespmem:s26+$0xFFFFFFC0] =	vst v5  }
0xe0: {  	v5 =	vld [tilespmem:s30+$0x20]  }
0xe1: {  	v7 =	vld [tilespmem:s30+$0xFFFFFFC0]  }
0xe2: {  	v6 =	vld.idx.msk [tilespmem:v6+s1+$0x0], $0xffff  }
0xe3: {  	v8 =	vld.idx.msk [tilespmem:v4+s1+$0x0], $0xffff  }
0xe4: {  	v4 =	vld.idx.msk [tilespmem:v1+s1+$0x0], $0xffff  }
.Ltmp10:
0xe5: {  	v1 =	vld.idx.msk [tilespmem:v0+s1+$0x0], $0xffff;
	(pc) =	sbr.rel @p1 .LBB2_16-.Ltmp10, $4  }
0xe6: {  	v0 =	vld.idx.msk [tilespmem:v2+s1+$0x0], $0xffff  }
0xe7: {  	s26 =	sadd.s32 $0x80, s26;
	v2 =	vld.idx.msk [tilespmem:v3+s1+$0x0], $0xffff  }
0xe8: {  	v3 =	vld.idx.msk [tilespmem:v5+s1+$0x0], $0xffff;
	[tilespmem:s26+$0x30] =	vst v6  }
0xe9: {  	s30 =	sadd.s32 $0x80, s30;
	v5 =	vld.idx.msk [tilespmem:v7+s1+$0x0], $0xffff;
	[tilespmem:s26+$0xFFFFFFD0] =	vst v8  }
0xea: {  	[tilespmem:s26+$0xFFFFFFE0] =	vst v4  }
0xeb: {  	[tilespmem:s26+$0xFFFFFFF0] =	vst v1  }
.Ltmp11:
0xec: {  	[tilespmem:s26+$0x0] =	vst v0;
	(pc) =	sbr.rel @p0 .LBB2_19-.Ltmp11, $4  }
0xed: {  	[tilespmem:s26+$0x10] =	vst v2  }
0xee: {  	[tilespmem:s26+$0x20] =	vst v3  }
0xef: {  	[tilespmem:s26+$0xFFFFFFC0] =	vst v5  }
0xf0: {  	[hbm4b:s28+s13] =	stream.strided.scatter [tilespmem:s22], [sflag:$0x4], $0x1900, s14, s13, $0x38;
	[tilespmem:$0x1EB00] =	vst v63  }
0xf1: {  	s26 =	smul.u32 $0x3200, s25  }
.Ltmp12:
0xf2: {  	_ = 	snop;
	(pc) =	sbr.rel .LBB2_13-.Ltmp12, $4  }
0xf3: {  	s26 =	sshrl.u32 s26, $0x3  }
0xf4: {  	s26 =	sadd.s32 s3, s26  }
0xf5: {  	s25 =	sadd.s32 $0x1, s25;
	s26 =	sadd.s32 $0x960, s26  }
0xf6: {  	[tilespmem:s17], [sflag:$0x2] =	stream.linear.gather [hbm4b:s26+s1], $0x1900, $0x38;
	[tilespmem:$0x1EB00] =	vst v63  }
.LBB2_20:
0xf7: {  	_ =	sfence.sel $0x180000  }
0xf8: {  	[bflag:$0x0] =	sbarrier.arrive $0xFFFF  }
0xf9: {  	p0 =	sne.s32 s2, $0x0;
	_ =	strace $0x90000047  }
0xfa: {  	s0 =	sadd.s32 @!p0 $0x100000, s0;
	[bflag:$0x2] =	sbarrier.arrive $0xFFFF  }
0xfb: {  	[sflag:s0] =	ssyncadd.tile.s32 @!p0 $0x1;
	_ =	shalt  }
.Lfunc_end2:
_tile_overlayer_lowered:
.L_overlay_start_2:
0xfc: {  	(tag) =	ssettag $0x2  }
0xfd: {  	s0 =	rddreg [dreg:$0x0];
	s2 =	stileid.u32  }
0xfe: {  	s1 =	rddreg [dreg:$0x1];
	p0 =	sne.s32 s2, $0x0  }
0xff: {  	s3 =	rddreg [dreg:$0x2];
	[bflag:$0x3] =	sbarrier.arrive $0xFFFF;
	s2 =	simm.s32 @!p0 $0x1C05  }
0x100: {  	[timem:s3], [sflag:s2] =	dma.local @!p0 [hbm:s0], s1  }
0x101: {  	s0 =	simm.s32 @!p0 $0x5  }
0x102: {  	_ =	swait.ge @!p0 [sflag:s0], s1  }
0x103: {  	s1 =	ssub.s32 @!p0 $0x0, s1;
	[sflag:s0] =	ssyncset.done @!p0 $0x0  }
0x104: {  	[sflag:s0] =	ssyncadd.s32 @!p0 s1  }
0x105: {  	[bflag:$0x3] =	sbarrier.arrive $0xFFFF  }
0x106: {  	_ =	shalt  }

</sc_bundles>
